<compile_context>
chip_gen: v7x
topology: tpu7x:2x2x1
jax: 0.10.2.dev20260603
libtpu: 0.0.44.dev20260713+nightly
codegen_flags: <defaults>
</compile_context>

<pallas_src>
import functools

import jax
import jax.numpy as jnp
from jax import lax
from jax.experimental import pallas as pl
from jax.experimental.pallas import tpu as pltpu
from jax.experimental.pallas import tpu_sc as plsc

B, L, D = 64, 512, 768
NUM_CORES = 2
NUM_SUBCORES = 16
NW = NUM_CORES * NUM_SUBCORES
P = L // NW

CB = 2
RPC = CB * P
NCHUNK = B // CB
NBUF = 4
AHEAD = 3

TB = 4


def _sc_gather(tokens_flat, token_table):
    mesh = plsc.VectorSubcoreMesh(core_axis_name="c", subcore_axis_name="s")

    scratch = [pltpu.VMEM((B * P,), jnp.int32)]
    scratch += [pltpu.VMEM((RPC, D), jnp.float32) for _ in range(NBUF)]
    scratch += [pltpu.SemaphoreType.DMA for _ in range(2 * NBUF + 1)]

    @functools.partial(
        pl.kernel,
        out_type=jax.ShapeDtypeStruct((B, L, D), jnp.float32),
        mesh=mesh,
        scratch_types=scratch,
    )
    def k(tokens_hbm, tab_hbm, out_hbm, idx_v, *rest):
        bufs = rest[:NBUF]
        gsem = rest[NBUF:2 * NBUF]
        wsem = rest[2 * NBUF:3 * NBUF]
        ssem = rest[3 * NBUF]

        wid = lax.axis_index("s") * NUM_CORES + lax.axis_index("c")
        p0 = wid * P

        @pl.loop(0, B)
        def stage_idx(b):
            pltpu.async_copy(
                tokens_hbm.at[pl.ds(b * L + p0, P)],
                idx_v.at[pl.ds(b * P, P)], ssem)

        pltpu.make_async_copy(tokens_hbm.at[pl.ds(0, B * P)], idx_v, ssem).wait()

        def fire_gather(t, s):
            pltpu.async_copy(
                tab_hbm.at[idx_v.at[pl.ds(t * RPC, RPC)]], bufs[s], gsem[s])

        for s in range(AHEAD):
            fire_gather(s, s)

        @pl.loop(0, NCHUNK, step=NBUF)
        def outer(t0):
            for s in range(NBUF):
                t = t0 + s
                pltpu.make_async_copy(
                    tab_hbm.at[pl.ds(0, RPC)], bufs[s], gsem[s]).wait()
                for j in range(CB):
                    pltpu.async_copy(
                        bufs[s].at[pl.ds(j * P, P)],
                        out_hbm.at[t * CB + j, pl.ds(p0, P)], wsem[s])

                tf = t + AHEAD
                sf = (s + AHEAD) % NBUF

                @pl.when(tf < NCHUNK)
                def prefire():
                    @pl.when(tf >= NBUF)
                    def drain_write():
                        pltpu.make_async_copy(
                            tab_hbm.at[pl.ds(0, RPC)], bufs[sf], wsem[sf]
                        ).wait()

                    fire_gather(tf, sf)

        for s in range(NBUF):
            pltpu.make_async_copy(
                tab_hbm.at[pl.ds(0, RPC)], bufs[s], wsem[s]).wait()

    return k(tokens_flat, token_table)


def _tc_add_body(g_ref, pos_ref, o_ref):
    o_ref[...] = g_ref[...] + pos_ref[...][None, :, :]


def _tc_add(gathered, pos_table):
    return pl.pallas_call(
        _tc_add_body,
        grid=(B // TB,),
        in_specs=[
            pl.BlockSpec((TB, L, D), lambda i: (i, 0, 0)),
            pl.BlockSpec((L, D), lambda i: (0, 0)),
        ],
        out_specs=pl.BlockSpec((TB, L, D), lambda i: (i, 0, 0)),
        out_shape=jax.ShapeDtypeStruct((B, L, D), jnp.float32),
        input_output_aliases={0: 0},
    )(gathered, pos_table)


@jax.jit
def _embed(tokens, token_table, pos_table):
    gathered = _sc_gather(tokens.reshape(B * L), token_table)
    return _tc_add(gathered, pos_table)


def kernel(tokens, token_table, pos_table):
    return _embed(tokens, token_table, pos_table)

# --- scband reference (transcript-rebuilt; emitter-appended) ---
"""Pipeline reference for scband-token-and-positional-embedding-84361747628060 (READ-ONLY COPY).

The authoritative reference and input builder live on the scoring server;
editing this copy changes nothing except your own understanding.
"""

import jax, jax.numpy as jnp
import numpy as np

VOCAB_SIZE = 50257
EMBED_SIZE = 768
MAX_LEN = 512
BATCH = 64
SEQ_LEN = 512


def setup_inputs(seed: int = 0) -> dict:
    key = jax.random.key(seed)
    k_tok, k_tab, k_pos = jax.random.split(key, 3)
    tokens = jax.random.randint(k_tok, (BATCH, SEQ_LEN), 0, VOCAB_SIZE, dtype=jnp.int64 if jax.config.jax_enable_x64 else jnp.int32)
    token_table = jax.random.normal(k_tab, (VOCAB_SIZE, EMBED_SIZE), dtype=jnp.float32)
    pos_table = jax.random.normal(k_pos, (MAX_LEN, EMBED_SIZE), dtype=jnp.float32)
    return {"tokens": tokens, "token_table": token_table, "pos_table": pos_table}


def reference(tokens, token_table, pos_table):
    # token embedding lookup: gather rows of token_table
    token_embed = jnp.take(token_table, tokens, axis=0)  # [B, L, D]
    # positional embedding: positions 0..L-1, broadcast over batch
    positions = jnp.arange(tokens.shape[1])
    positional_embed = jnp.take(pos_table, positions, axis=0)[None, :, :]  # [1, L, D]
    return token_embed + positional_embed

if __name__ == "__main__":
    import jax
    _d = setup_inputs()
    print(jax.jit(kernel)(*tuple(_d.values())))

</pallas_src>

<mosaic_0001>
#map = affine_map<(d0, d1) -> (0)>
#map1 = affine_map<(d0, d1) -> (0, 0)>
#map2 = affine_map<(d0, d1) -> (0, 0, 0)>
module attributes {stable_mosaic.version = 14 : i64} {
  func.func @k(%arg0: i32, %arg1: i32, %arg2: memref<32768xi32, #tpu.memory_space<hbm>>, %arg3: memref<50257x768xf32, #tpu.memory_space<hbm>>, %arg4: memref<64x512x768xf32, #tpu.memory_space<hbm>>, %arg5: memref<1024xi32, #tpu.memory_space<vmem>>, %arg6: memref<32x768xf32, #tpu.memory_space<vmem>>, %arg7: memref<32x768xf32, #tpu.memory_space<vmem>>, %arg8: memref<32x768xf32, #tpu.memory_space<vmem>>, %arg9: memref<32x768xf32, #tpu.memory_space<vmem>>, %arg10: memref<!tpu.dma_semaphore, #tpu.memory_space<semaphore_mem>>, %arg11: memref<!tpu.dma_semaphore, #tpu.memory_space<semaphore_mem>>, %arg12: memref<!tpu.dma_semaphore, #tpu.memory_space<semaphore_mem>>, %arg13: memref<!tpu.dma_semaphore, #tpu.memory_space<semaphore_mem>>, %arg14: memref<!tpu.dma_semaphore, #tpu.memory_space<semaphore_mem>>, %arg15: memref<!tpu.dma_semaphore, #tpu.memory_space<semaphore_mem>>, %arg16: memref<!tpu.dma_semaphore, #tpu.memory_space<semaphore_mem>>, %arg17: memref<!tpu.dma_semaphore, #tpu.memory_space<semaphore_mem>>, %arg18: memref<!tpu.dma_semaphore, #tpu.memory_space<semaphore_mem>>) attributes {dimension_semantics = [#tpu.dimension_semantics<core_parallel>, #tpu.dimension_semantics<subcore_parallel>], iteration_bounds = array<i64: 2, 16>, scalar_prefetch = 0 : i64, scratch_operands = 14 : i64, tpu.core_type = #tpu.core_type<sc_vector_subcore>, window_params = [{transform_indices = #map}, {transform_indices = #map1}, {transform_indices = #map2}]} {
    %mul3A = arith.constant 2 : i32
    %mul3A_0 = arith.muli %arg1, %mul3A : i32
    %add3A = arith.addi %mul3A_0, %arg0 : i32
    %mul3A_1 = arith.constant 16 : i32
    %mul3A_2 = arith.muli %add3A, %mul3A_1 : i32
    %scan3A = arith.constant 0 : i32
    %scan3A_3 = arith.constant 64 : i32
    %scan3A_4 = arith.addi %scan3A, %scan3A_3 : i32
    %scan3A_5 = arith.constant 1 : i32
    scf.for %scan3A_53 = %scan3A to %scan3A_4 step %scan3A_5  : i32 {
      %mul3A_54 = arith.constant 1 : i32
      %mul3A_55 = arith.muli %scan3A_53, %mul3A_54 : i32
      %add3A_56 = arith.constant 0 : i32
      %add3A_57 = arith.addi %add3A_56, %mul3A_55 : i32
      %mul3A_58 = arith.constant 512 : i32
      %mul3A_59 = arith.muli %add3A_57, %mul3A_58 : i32
      %add3A_60 = arith.addi %mul3A_59, %mul3A_2 : i32
      %mul3A_61 = arith.constant 16 : i32
      %mul3A_62 = arith.muli %add3A_57, %mul3A_61 : i32
      %dma_start3A_63 = tpu.memref_slice %arg5[%mul3A_62] : memref<1024xi32, #tpu.memory_space<vmem>> -> memref<16xi32, #tpu.memory_space<vmem>>
      %dma_start3A_64 = tpu.memref_slice %arg2[%add3A_60] : memref<32768xi32, #tpu.memory_space<hbm>> -> memref<16xi32, #tpu.memory_space<hbm>>
      %dma_start3A_65 = tpu.memref_slice %arg5[%mul3A_62] : memref<1024xi32, #tpu.memory_space<vmem>> -> memref<16xi32, #tpu.memory_space<vmem>>
      %dma_start3A_66 = tpu.memref_slice %arg2[%add3A_60] : memref<32768xi32, #tpu.memory_space<hbm>> -> memref<16xi32, #tpu.memory_space<hbm>>
      tpu.enqueue_dma source(%dma_start3A_66 : memref<16xi32, #tpu.memory_space<hbm>>) target(%dma_start3A_65 : memref<16xi32, #tpu.memory_space<vmem>>) target_semaphore(%arg18 : memref<!tpu.dma_semaphore, #tpu.memory_space<semaphore_mem>>)
    }
    %scan3A_6 = arith.constant 64 : i32
    %dma_wait3A = arith.constant 0 : i32
    %dma_wait3A_7 = tpu.memref_slice %arg2[%dma_wait3A] : memref<32768xi32, #tpu.memory_space<hbm>> -> memref<1024xi32, #tpu.memory_space<hbm>>
    %dma_wait3A_8 = arith.constant 0 : i32
    %dma_wait3A_9 = tpu.memref_slice %arg2[%dma_wait3A_8] : memref<32768xi32, #tpu.memory_space<hbm>> -> memref<1024xi32, #tpu.memory_space<hbm>>
    tpu.wait_dma2 semaphore(%arg18 : memref<!tpu.dma_semaphore, #tpu.memory_space<semaphore_mem>>) src(%dma_wait3A_9 : memref<1024xi32, #tpu.memory_space<hbm>>) dst(%arg5 : memref<1024xi32, #tpu.memory_space<vmem>>)
    %dma_start3A = arith.constant 0 : i32
    %dma_start3A_10 = tpu.memref_slice %arg5[%dma_start3A] : memref<1024xi32, #tpu.memory_space<vmem>> -> memref<32xi32, #tpu.memory_space<vmem>>
    %dma_start3A_11 = arith.constant 0 : i32
    %dma_start3A_12 = arith.constant 0 : i32
    %dma_start3A_13 = tpu.memref_slice %arg3[%dma_start3A_11, %dma_start3A_12] : memref<50257x768xf32, #tpu.memory_space<hbm>> -> memref<50257x768xf32, #tpu.memory_space<hbm>>
    tpu.enqueue_indirect_dma source(%dma_start3A_13 : memref<50257x768xf32, #tpu.memory_space<hbm>>) target(%arg6 : memref<32x768xf32, #tpu.memory_space<vmem>>) offsets(%dma_start3A_10 : memref<32xi32, #tpu.memory_space<vmem>>) semaphore(%arg10 : memref<!tpu.dma_semaphore, #tpu.memory_space<semaphore_mem>>)
    %dma_start3A_14 = arith.constant 32 : i32
    %dma_start3A_15 = tpu.memref_slice %arg5[%dma_start3A_14] : memref<1024xi32, #tpu.memory_space<vmem>> -> memref<32xi32, #tpu.memory_space<vmem>>
    %dma_start3A_16 = arith.constant 0 : i32
    %dma_start3A_17 = arith.constant 0 : i32
    %dma_start3A_18 = tpu.memref_slice %arg3[%dma_start3A_16, %dma_start3A_17] : memref<50257x768xf32, #tpu.memory_space<hbm>> -> memref<50257x768xf32, #tpu.memory_space<hbm>>
    tpu.enqueue_indirect_dma source(%dma_start3A_18 : memref<50257x768xf32, #tpu.memory_space<hbm>>) target(%arg7 : memref<32x768xf32, #tpu.memory_space<vmem>>) offsets(%dma_start3A_15 : memref<32xi32, #tpu.memory_space<vmem>>) semaphore(%arg11 : memref<!tpu.dma_semaphore, #tpu.memory_space<semaphore_mem>>)
    %dma_start3A_19 = arith.constant 64 : i32
    %dma_start3A_20 = tpu.memref_slice %arg5[%dma_start3A_19] : memref<1024xi32, #tpu.memory_space<vmem>> -> memref<32xi32, #tpu.memory_space<vmem>>
    %dma_start3A_21 = arith.constant 0 : i32
    %dma_start3A_22 = arith.constant 0 : i32
    %dma_start3A_23 = tpu.memref_slice %arg3[%dma_start3A_21, %dma_start3A_22] : memref<50257x768xf32, #tpu.memory_space<hbm>> -> memref<50257x768xf32, #tpu.memory_space<hbm>>
    tpu.enqueue_indirect_dma source(%dma_start3A_23 : memref<50257x768xf32, #tpu.memory_space<hbm>>) target(%arg8 : memref<32x768xf32, #tpu.memory_space<vmem>>) offsets(%dma_start3A_20 : memref<32xi32, #tpu.memory_space<vmem>>) semaphore(%arg12 : memref<!tpu.dma_semaphore, #tpu.memory_space<semaphore_mem>>)
    %scan3A_24 = arith.constant 0 : i32
    %scan3A_25 = arith.constant 8 : i32
    %scan3A_26 = arith.addi %scan3A_24, %scan3A_25 : i32
    %scan3A_27 = arith.constant 1 : i32
    scf.for %scan3A_53 = %scan3A_24 to %scan3A_26 step %scan3A_27  : i32 {
      %mul3A_54 = arith.constant 4 : i32
      %mul3A_55 = arith.muli %scan3A_53, %mul3A_54 : i32
      %add3A_56 = arith.constant 0 : i32
      %add3A_57 = arith.addi %add3A_56, %mul3A_55 : i32
      %add3A_58 = arith.constant 0 : i32
      %add3A_59 = arith.addi %add3A_57, %add3A_58 : i32
      %dma_wait3A_60 = arith.constant 0 : i32
      %dma_wait3A_61 = arith.constant 0 : i32
      %dma_wait3A_62 = tpu.memref_slice %arg3[%dma_wait3A_60, %dma_wait3A_61] : memref<50257x768xf32, #tpu.memory_space<hbm>> -> memref<32x768xf32, #tpu.memory_space<hbm>>
      %dma_wait3A_63 = arith.constant 0 : i32
      %dma_wait3A_64 = arith.constant 0 : i32
      %dma_wait3A_65 = tpu.memref_slice %arg3[%dma_wait3A_63, %dma_wait3A_64] : memref<50257x768xf32, #tpu.memory_space<hbm>> -> memref<32x768xf32, #tpu.memory_space<hbm>>
      tpu.wait_dma2 semaphore(%arg10 : memref<!tpu.dma_semaphore, #tpu.memory_space<semaphore_mem>>) src(%dma_wait3A_65 : memref<32x768xf32, #tpu.memory_space<hbm>>) dst(%arg6 : memref<32x768xf32, #tpu.memory_space<vmem>>)
      %mul3A_66 = arith.constant 2 : i32
      %mul3A_67 = arith.muli %add3A_59, %mul3A_66 : i32
      %add3A_68 = arith.constant 0 : i32
      %add3A_69 = arith.addi %mul3A_67, %add3A_68 : i32
      %dma_start3A_70 = arith.constant 0 : i32
      %dma_start3A_71 = arith.constant 0 : i32
      %dma_start3A_72 = tpu.memref_slice %arg6[%dma_start3A_70, %dma_start3A_71] : memref<32x768xf32, #tpu.memory_space<vmem>> -> memref<16x768xf32, #tpu.memory_space<vmem>>
      %dma_start3A_73 = arith.constant 0 : i32
      %dma_start3A_74 = tpu.memref_slice %arg4[%add3A_69, %mul3A_2, %dma_start3A_73] : memref<64x512x768xf32, #tpu.memory_space<hbm>> -> memref<1x16x768xf32, #tpu.memory_space<hbm>>
      %dma_start3A_75 = tpu.memref_squeeze %dma_start3A_74 : memref<1x16x768xf32, #tpu.memory_space<hbm>> -> memref<16x768xf32, #tpu.memory_space<hbm>>
      %dma_start3A_76 = arith.constant 0 : i32
      %dma_start3A_77 = tpu.memref_slice %arg4[%add3A_69, %mul3A_2, %dma_start3A_76] : memref<64x512x768xf32, #tpu.memory_space<hbm>> -> memref<1x16x768xf32, #tpu.memory_space<hbm>>
      %dma_start3A_78 = tpu.memref_squeeze %dma_start3A_77 : memref<1x16x768xf32, #tpu.memory_space<hbm>> -> memref<16x768xf32, #tpu.memory_space<hbm>>
      %dma_start3A_79 = arith.constant 0 : i32
      %dma_start3A_80 = arith.constant 0 : i32
      %dma_start3A_81 = tpu.memref_slice %arg6[%dma_start3A_79, %dma_start3A_80] : memref<32x768xf32, #tpu.memory_space<vmem>> -> memref<16x768xf32, #tpu.memory_space<vmem>>
      tpu.enqueue_dma source(%dma_start3A_81 : memref<16x768xf32, #tpu.memory_space<vmem>>) target(%dma_start3A_78 : memref<16x768xf32, #tpu.memory_space<hbm>>) target_semaphore(%arg14 : memref<!tpu.dma_semaphore, #tpu.memory_space<semaphore_mem>>)
      %mul3A_82 = arith.constant 2 : i32
      %mul3A_83 = arith.muli %add3A_59, %mul3A_82 : i32
      %add3A_84 = arith.constant 1 : i32
      %add3A_85 = arith.addi %mul3A_83, %add3A_84 : i32
      %dma_start3A_86 = arith.constant 16 : i32
      %dma_start3A_87 = arith.constant 0 : i32
      %dma_start3A_88 = tpu.memref_slice %arg6[%dma_start3A_86, %dma_start3A_87] : memref<32x768xf32, #tpu.memory_space<vmem>> -> memref<16x768xf32, #tpu.memory_space<vmem>>
      %dma_start3A_89 = arith.constant 0 : i32
      %dma_start3A_90 = tpu.memref_slice %arg4[%add3A_85, %mul3A_2, %dma_start3A_89] : memref<64x512x768xf32, #tpu.memory_space<hbm>> -> memref<1x16x768xf32, #tpu.memory_space<hbm>>
      %dma_start3A_91 = tpu.memref_squeeze %dma_start3A_90 : memref<1x16x768xf32, #tpu.memory_space<hbm>> -> memref<16x768xf32, #tpu.memory_space<hbm>>
      %dma_start3A_92 = arith.constant 0 : i32
      %dma_start3A_93 = tpu.memref_slice %arg4[%add3A_85, %mul3A_2, %dma_start3A_92] : memref<64x512x768xf32, #tpu.memory_space<hbm>> -> memref<1x16x768xf32, #tpu.memory_space<hbm>>
      %dma_start3A_94 = tpu.memref_squeeze %dma_start3A_93 : memref<1x16x768xf32, #tpu.memory_space<hbm>> -> memref<16x768xf32, #tpu.memory_space<hbm>>
      %dma_start3A_95 = arith.constant 16 : i32
      %dma_start3A_96 = arith.constant 0 : i32
      %dma_start3A_97 = tpu.memref_slice %arg6[%dma_start3A_95, %dma_start3A_96] : memref<32x768xf32, #tpu.memory_space<vmem>> -> memref<16x768xf32, #tpu.memory_space<vmem>>
      tpu.enqueue_dma source(%dma_start3A_97 : memref<16x768xf32, #tpu.memory_space<vmem>>) target(%dma_start3A_94 : memref<16x768xf32, #tpu.memory_space<hbm>>) target_semaphore(%arg14 : memref<!tpu.dma_semaphore, #tpu.memory_space<semaphore_mem>>)
      %add3A_98 = arith.constant 3 : i32
      %add3A_99 = arith.addi %add3A_59, %add3A_98 : i32
      %lt3A = arith.constant 32 : i32
      %lt3A_100 = arith.cmpi slt, %add3A_99, %lt3A : i32
      %convert_element_type3A = arith.extui %lt3A_100 : i1 to i32
      %cond3A = arith.constant 0 : i32
      %cond3A_101 = arith.cmpi ne, %convert_element_type3A, %cond3A : i32
      scf.if %cond3A_101 {
        %ge3A = arith.constant 4 : i32
        %ge3A_243 = arith.cmpi sge, %add3A_99, %ge3A : i32
        %convert_element_type3A_244 = arith.extui %ge3A_243 : i1 to i32
        %cond3A_245 = arith.constant 0 : i32
        %cond3A_246 = arith.cmpi ne, %convert_element_type3A_244, %cond3A_245 : i32
        scf.if %cond3A_246 {
          %dma_wait3A_253 = arith.constant 0 : i32
          %dma_wait3A_254 = arith.constant 0 : i32
          %dma_wait3A_255 = tpu.memref_slice %arg3[%dma_wait3A_253, %dma_wait3A_254] : memref<50257x768xf32, #tpu.memory_space<hbm>> -> memref<32x768xf32, #tpu.memory_space<hbm>>
          %dma_wait3A_256 = arith.constant 0 : i32
          %dma_wait3A_257 = arith.constant 0 : i32
          %dma_wait3A_258 = tpu.memref_slice %arg3[%dma_wait3A_256, %dma_wait3A_257] : memref<50257x768xf32, #tpu.memory_space<hbm>> -> memref<32x768xf32, #tpu.memory_space<hbm>>
          tpu.wait_dma2 semaphore(%arg17 : memref<!tpu.dma_semaphore, #tpu.memory_space<semaphore_mem>>) src(%dma_wait3A_258 : memref<32x768xf32, #tpu.memory_space<hbm>>) dst(%arg9 : memref<32x768xf32, #tpu.memory_space<vmem>>)
        } else {
        }
        %mul3A_247 = arith.constant 32 : i32
        %mul3A_248 = arith.muli %add3A_99, %mul3A_247 : i32
        %dma_start3A_249 = tpu.memref_slice %arg5[%mul3A_248] : memref<1024xi32, #tpu.memory_space<vmem>> -> memref<32xi32, #tpu.memory_space<vmem>>
        %dma_start3A_250 = arith.constant 0 : i32
        %dma_start3A_251 = arith.constant 0 : i32
        %dma_start3A_252 = tpu.memref_slice %arg3[%dma_start3A_250, %dma_start3A_251] : memref<50257x768xf32, #tpu.memory_space<hbm>> -> memref<50257x768xf32, #tpu.memory_space<hbm>>
        tpu.enqueue_indirect_dma source(%dma_start3A_252 : memref<50257x768xf32, #tpu.memory_space<hbm>>) target(%arg9 : memref<32x768xf32, #tpu.memory_space<vmem>>) offsets(%dma_start3A_249 : memref<32xi32, #tpu.memory_space<vmem>>) semaphore(%arg13 : memref<!tpu.dma_semaphore, #tpu.memory_space<semaphore_mem>>)
      } else {
      }
      %add3A_102 = arith.constant 1 : i32
      %add3A_103 = arith.addi %add3A_57, %add3A_102 : i32
      %dma_wait3A_104 = arith.constant 0 : i32
      %dma_wait3A_105 = arith.constant 0 : i32
      %dma_wait3A_106 = tpu.memref_slice %arg3[%dma_wait3A_104, %dma_wait3A_105] : memref<50257x768xf32, #tpu.memory_space<hbm>> -> memref<32x768xf32, #tpu.memory_space<hbm>>
      %dma_wait3A_107 = arith.constant 0 : i32
      %dma_wait3A_108 = arith.constant 0 : i32
      %dma_wait3A_109 = tpu.memref_slice %arg3[%dma_wait3A_107, %dma_wait3A_108] : memref<50257x768xf32, #tpu.memory_space<hbm>> -> memref<32x768xf32, #tpu.memory_space<hbm>>
      tpu.wait_dma2 semaphore(%arg11 : memref<!tpu.dma_semaphore, #tpu.memory_space<semaphore_mem>>) src(%dma_wait3A_109 : memref<32x768xf32, #tpu.memory_space<hbm>>) dst(%arg7 : memref<32x768xf32, #tpu.memory_space<vmem>>)
      %mul3A_110 = arith.constant 2 : i32
      %mul3A_111 = arith.muli %add3A_103, %mul3A_110 : i32
      %add3A_112 = arith.constant 0 : i32
      %add3A_113 = arith.addi %mul3A_111, %add3A_112 : i32
      %dma_start3A_114 = arith.constant 0 : i32
      %dma_start3A_115 = arith.constant 0 : i32
      %dma_start3A_116 = tpu.memref_slice %arg7[%dma_start3A_114, %dma_start3A_115] : memref<32x768xf32, #tpu.memory_space<vmem>> -> memref<16x768xf32, #tpu.memory_space<vmem>>
      %dma_start3A_117 = arith.constant 0 : i32
      %dma_start3A_118 = tpu.memref_slice %arg4[%add3A_113, %mul3A_2, %dma_start3A_117] : memref<64x512x768xf32, #tpu.memory_space<hbm>> -> memref<1x16x768xf32, #tpu.memory_space<hbm>>
      %dma_start3A_119 = tpu.memref_squeeze %dma_start3A_118 : memref<1x16x768xf32, #tpu.memory_space<hbm>> -> memref<16x768xf32, #tpu.memory_space<hbm>>
      %dma_start3A_120 = arith.constant 0 : i32
      %dma_start3A_121 = tpu.memref_slice %arg4[%add3A_113, %mul3A_2, %dma_start3A_120] : memref<64x512x768xf32, #tpu.memory_space<hbm>> -> memref<1x16x768xf32, #tpu.memory_space<hbm>>
      %dma_start3A_122 = tpu.memref_squeeze %dma_start3A_121 : memref<1x16x768xf32, #tpu.memory_space<hbm>> -> memref<16x768xf32, #tpu.memory_space<hbm>>
      %dma_start3A_123 = arith.constant 0 : i32
      %dma_start3A_124 = arith.constant 0 : i32
      %dma_start3A_125 = tpu.memref_slice %arg7[%dma_start3A_123, %dma_start3A_124] : memref<32x768xf32, #tpu.memory_space<vmem>> -> memref<16x768xf32, #tpu.memory_space<vmem>>
      tpu.enqueue_dma source(%dma_start3A_125 : memref<16x768xf32, #tpu.memory_space<vmem>>) target(%dma_start3A_122 : memref<16x768xf32, #tpu.memory_space<hbm>>) target_semaphore(%arg15 : memref<!tpu.dma_semaphore, #tpu.memory_space<semaphore_mem>>)
      %mul3A_126 = arith.constant 2 : i32
      %mul3A_127 = arith.muli %add3A_103, %mul3A_126 : i32
      %add3A_128 = arith.constant 1 : i32
      %add3A_129 = arith.addi %mul3A_127, %add3A_128 : i32
      %dma_start3A_130 = arith.constant 16 : i32
      %dma_start3A_131 = arith.constant 0 : i32
      %dma_start3A_132 = tpu.memref_slice %arg7[%dma_start3A_130, %dma_start3A_131] : memref<32x768xf32, #tpu.memory_space<vmem>> -> memref<16x768xf32, #tpu.memory_space<vmem>>
      %dma_start3A_133 = arith.constant 0 : i32
      %dma_start3A_134 = tpu.memref_slice %arg4[%add3A_129, %mul3A_2, %dma_start3A_133] : memref<64x512x768xf32, #tpu.memory_space<hbm>> -> memref<1x16x768xf32, #tpu.memory_space<hbm>>
      %dma_start3A_135 = tpu.memref_squeeze %dma_start3A_134 : memref<1x16x768xf32, #tpu.memory_space<hbm>> -> memref<16x768xf32, #tpu.memory_space<hbm>>
      %dma_start3A_136 = arith.constant 0 : i32
      %dma_start3A_137 = tpu.memref_slice %arg4[%add3A_129, %mul3A_2, %dma_start3A_136] : memref<64x512x768xf32, #tpu.memory_space<hbm>> -> memref<1x16x768xf32, #tpu.memory_space<hbm>>
      %dma_start3A_138 = tpu.memref_squeeze %dma_start3A_137 : memref<1x16x768xf32, #tpu.memory_space<hbm>> -> memref<16x768xf32, #tpu.memory_space<hbm>>
      %dma_start3A_139 = arith.constant 16 : i32
      %dma_start3A_140 = arith.constant 0 : i32
      %dma_start3A_141 = tpu.memref_slice %arg7[%dma_start3A_139, %dma_start3A_140] : memref<32x768xf32, #tpu.memory_space<vmem>> -> memref<16x768xf32, #tpu.memory_space<vmem>>
      tpu.enqueue_dma source(%dma_start3A_141 : memref<16x768xf32, #tpu.memory_space<vmem>>) target(%dma_start3A_138 : memref<16x768xf32, #tpu.memory_space<hbm>>) target_semaphore(%arg15 : memref<!tpu.dma_semaphore, #tpu.memory_space<semaphore_mem>>)
      %add3A_142 = arith.constant 3 : i32
      %add3A_143 = arith.addi %add3A_103, %add3A_142 : i32
      %lt3A_144 = arith.constant 32 : i32
      %lt3A_145 = arith.cmpi slt, %add3A_143, %lt3A_144 : i32
      %convert_element_type3A_146 = arith.extui %lt3A_145 : i1 to i32
      %cond3A_147 = arith.constant 0 : i32
      %cond3A_148 = arith.cmpi ne, %convert_element_type3A_146, %cond3A_147 : i32
      scf.if %cond3A_148 {
        %ge3A = arith.constant 4 : i32
        %ge3A_243 = arith.cmpi sge, %add3A_143, %ge3A : i32
        %convert_element_type3A_244 = arith.extui %ge3A_243 : i1 to i32
        %cond3A_245 = arith.constant 0 : i32
        %cond3A_246 = arith.cmpi ne, %convert_element_type3A_244, %cond3A_245 : i32
        scf.if %cond3A_246 {
          %dma_wait3A_253 = arith.constant 0 : i32
          %dma_wait3A_254 = arith.constant 0 : i32
          %dma_wait3A_255 = tpu.memref_slice %arg3[%dma_wait3A_253, %dma_wait3A_254] : memref<50257x768xf32, #tpu.memory_space<hbm>> -> memref<32x768xf32, #tpu.memory_space<hbm>>
          %dma_wait3A_256 = arith.constant 0 : i32
          %dma_wait3A_257 = arith.constant 0 : i32
          %dma_wait3A_258 = tpu.memref_slice %arg3[%dma_wait3A_256, %dma_wait3A_257] : memref<50257x768xf32, #tpu.memory_space<hbm>> -> memref<32x768xf32, #tpu.memory_space<hbm>>
          tpu.wait_dma2 semaphore(%arg14 : memref<!tpu.dma_semaphore, #tpu.memory_space<semaphore_mem>>) src(%dma_wait3A_258 : memref<32x768xf32, #tpu.memory_space<hbm>>) dst(%arg6 : memref<32x768xf32, #tpu.memory_space<vmem>>)
        } else {
        }
        %mul3A_247 = arith.constant 32 : i32
        %mul3A_248 = arith.muli %add3A_143, %mul3A_247 : i32
        %dma_start3A_249 = tpu.memref_slice %arg5[%mul3A_248] : memref<1024xi32, #tpu.memory_space<vmem>> -> memref<32xi32, #tpu.memory_space<vmem>>
        %dma_start3A_250 = arith.constant 0 : i32
        %dma_start3A_251 = arith.constant 0 : i32
        %dma_start3A_252 = tpu.memref_slice %arg3[%dma_start3A_250, %dma_start3A_251] : memref<50257x768xf32, #tpu.memory_space<hbm>> -> memref<50257x768xf32, #tpu.memory_space<hbm>>
        tpu.enqueue_indirect_dma source(%dma_start3A_252 : memref<50257x768xf32, #tpu.memory_space<hbm>>) target(%arg6 : memref<32x768xf32, #tpu.memory_space<vmem>>) offsets(%dma_start3A_249 : memref<32xi32, #tpu.memory_space<vmem>>) semaphore(%arg10 : memref<!tpu.dma_semaphore, #tpu.memory_space<semaphore_mem>>)
      } else {
      }
      %add3A_149 = arith.constant 2 : i32
      %add3A_150 = arith.addi %add3A_57, %add3A_149 : i32
      %dma_wait3A_151 = arith.constant 0 : i32
      %dma_wait3A_152 = arith.constant 0 : i32
      %dma_wait3A_153 = tpu.memref_slice %arg3[%dma_wait3A_151, %dma_wait3A_152] : memref<50257x768xf32, #tpu.memory_space<hbm>> -> memref<32x768xf32, #tpu.memory_space<hbm>>
      %dma_wait3A_154 = arith.constant 0 : i32
      %dma_wait3A_155 = arith.constant 0 : i32
      %dma_wait3A_156 = tpu.memref_slice %arg3[%dma_wait3A_154, %dma_wait3A_155] : memref<50257x768xf32, #tpu.memory_space<hbm>> -> memref<32x768xf32, #tpu.memory_space<hbm>>
      tpu.wait_dma2 semaphore(%arg12 : memref<!tpu.dma_semaphore, #tpu.memory_space<semaphore_mem>>) src(%dma_wait3A_156 : memref<32x768xf32, #tpu.memory_space<hbm>>) dst(%arg8 : memref<32x768xf32, #tpu.memory_space<vmem>>)
      %mul3A_157 = arith.constant 2 : i32
      %mul3A_158 = arith.muli %add3A_150, %mul3A_157 : i32
      %add3A_159 = arith.constant 0 : i32
      %add3A_160 = arith.addi %mul3A_158, %add3A_159 : i32
      %dma_start3A_161 = arith.constant 0 : i32
      %dma_start3A_162 = arith.constant 0 : i32
      %dma_start3A_163 = tpu.memref_slice %arg8[%dma_start3A_161, %dma_start3A_162] : memref<32x768xf32, #tpu.memory_space<vmem>> -> memref<16x768xf32, #tpu.memory_space<vmem>>
      %dma_start3A_164 = arith.constant 0 : i32
      %dma_start3A_165 = tpu.memref_slice %arg4[%add3A_160, %mul3A_2, %dma_start3A_164] : memref<64x512x768xf32, #tpu.memory_space<hbm>> -> memref<1x16x768xf32, #tpu.memory_space<hbm>>
      %dma_start3A_166 = tpu.memref_squeeze %dma_start3A_165 : memref<1x16x768xf32, #tpu.memory_space<hbm>> -> memref<16x768xf32, #tpu.memory_space<hbm>>
      %dma_start3A_167 = arith.constant 0 : i32
      %dma_start3A_168 = tpu.memref_slice %arg4[%add3A_160, %mul3A_2, %dma_start3A_167] : memref<64x512x768xf32, #tpu.memory_space<hbm>> -> memref<1x16x768xf32, #tpu.memory_space<hbm>>
      %dma_start3A_169 = tpu.memref_squeeze %dma_start3A_168 : memref<1x16x768xf32, #tpu.memory_space<hbm>> -> memref<16x768xf32, #tpu.memory_space<hbm>>
      %dma_start3A_170 = arith.constant 0 : i32
      %dma_start3A_171 = arith.constant 0 : i32
      %dma_start3A_172 = tpu.memref_slice %arg8[%dma_start3A_170, %dma_start3A_171] : memref<32x768xf32, #tpu.memory_space<vmem>> -> memref<16x768xf32, #tpu.memory_space<vmem>>
      tpu.enqueue_dma source(%dma_start3A_172 : memref<16x768xf32, #tpu.memory_space<vmem>>) target(%dma_start3A_169 : memref<16x768xf32, #tpu.memory_space<hbm>>) target_semaphore(%arg16 : memref<!tpu.dma_semaphore, #tpu.memory_space<semaphore_mem>>)
      %mul3A_173 = arith.constant 2 : i32
      %mul3A_174 = arith.muli %add3A_150, %mul3A_173 : i32
      %add3A_175 = arith.constant 1 : i32
      %add3A_176 = arith.addi %mul3A_174, %add3A_175 : i32
      %dma_start3A_177 = arith.constant 16 : i32
      %dma_start3A_178 = arith.constant 0 : i32
      %dma_start3A_179 = tpu.memref_slice %arg8[%dma_start3A_177, %dma_start3A_178] : memref<32x768xf32, #tpu.memory_space<vmem>> -> memref<16x768xf32, #tpu.memory_space<vmem>>
      %dma_start3A_180 = arith.constant 0 : i32
      %dma_start3A_181 = tpu.memref_slice %arg4[%add3A_176, %mul3A_2, %dma_start3A_180] : memref<64x512x768xf32, #tpu.memory_space<hbm>> -> memref<1x16x768xf32, #tpu.memory_space<hbm>>
      %dma_start3A_182 = tpu.memref_squeeze %dma_start3A_181 : memref<1x16x768xf32, #tpu.memory_space<hbm>> -> memref<16x768xf32, #tpu.memory_space<hbm>>
      %dma_start3A_183 = arith.constant 0 : i32
      %dma_start3A_184 = tpu.memref_slice %arg4[%add3A_176, %mul3A_2, %dma_start3A_183] : memref<64x512x768xf32, #tpu.memory_space<hbm>> -> memref<1x16x768xf32, #tpu.memory_space<hbm>>
      %dma_start3A_185 = tpu.memref_squeeze %dma_start3A_184 : memref<1x16x768xf32, #tpu.memory_space<hbm>> -> memref<16x768xf32, #tpu.memory_space<hbm>>
      %dma_start3A_186 = arith.constant 16 : i32
      %dma_start3A_187 = arith.constant 0 : i32
      %dma_start3A_188 = tpu.memref_slice %arg8[%dma_start3A_186, %dma_start3A_187] : memref<32x768xf32, #tpu.memory_space<vmem>> -> memref<16x768xf32, #tpu.memory_space<vmem>>
      tpu.enqueue_dma source(%dma_start3A_188 : memref<16x768xf32, #tpu.memory_space<vmem>>) target(%dma_start3A_185 : memref<16x768xf32, #tpu.memory_space<hbm>>) target_semaphore(%arg16 : memref<!tpu.dma_semaphore, #tpu.memory_space<semaphore_mem>>)
      %add3A_189 = arith.constant 3 : i32
      %add3A_190 = arith.addi %add3A_150, %add3A_189 : i32
      %lt3A_191 = arith.constant 32 : i32
      %lt3A_192 = arith.cmpi slt, %add3A_190, %lt3A_191 : i32
      %convert_element_type3A_193 = arith.extui %lt3A_192 : i1 to i32
      %cond3A_194 = arith.constant 0 : i32
      %cond3A_195 = arith.cmpi ne, %convert_element_type3A_193, %cond3A_194 : i32
      scf.if %cond3A_195 {
        %ge3A = arith.constant 4 : i32
        %ge3A_243 = arith.cmpi sge, %add3A_190, %ge3A : i32
        %convert_element_type3A_244 = arith.extui %ge3A_243 : i1 to i32
        %cond3A_245 = arith.constant 0 : i32
        %cond3A_246 = arith.cmpi ne, %convert_element_type3A_244, %cond3A_245 : i32
        scf.if %cond3A_246 {
          %dma_wait3A_253 = arith.constant 0 : i32
          %dma_wait3A_254 = arith.constant 0 : i32
          %dma_wait3A_255 = tpu.memref_slice %arg3[%dma_wait3A_253, %dma_wait3A_254] : memref<50257x768xf32, #tpu.memory_space<hbm>> -> memref<32x768xf32, #tpu.memory_space<hbm>>
          %dma_wait3A_256 = arith.constant 0 : i32
          %dma_wait3A_257 = arith.constant 0 : i32
          %dma_wait3A_258 = tpu.memref_slice %arg3[%dma_wait3A_256, %dma_wait3A_257] : memref<50257x768xf32, #tpu.memory_space<hbm>> -> memref<32x768xf32, #tpu.memory_space<hbm>>
          tpu.wait_dma2 semaphore(%arg15 : memref<!tpu.dma_semaphore, #tpu.memory_space<semaphore_mem>>) src(%dma_wait3A_258 : memref<32x768xf32, #tpu.memory_space<hbm>>) dst(%arg7 : memref<32x768xf32, #tpu.memory_space<vmem>>)
        } else {
        }
        %mul3A_247 = arith.constant 32 : i32
        %mul3A_248 = arith.muli %add3A_190, %mul3A_247 : i32
        %dma_start3A_249 = tpu.memref_slice %arg5[%mul3A_248] : memref<1024xi32, #tpu.memory_space<vmem>> -> memref<32xi32, #tpu.memory_space<vmem>>
        %dma_start3A_250 = arith.constant 0 : i32
        %dma_start3A_251 = arith.constant 0 : i32
        %dma_start3A_252 = tpu.memref_slice %arg3[%dma_start3A_250, %dma_start3A_251] : memref<50257x768xf32, #tpu.memory_space<hbm>> -> memref<50257x768xf32, #tpu.memory_space<hbm>>
        tpu.enqueue_indirect_dma source(%dma_start3A_252 : memref<50257x768xf32, #tpu.memory_space<hbm>>) target(%arg7 : memref<32x768xf32, #tpu.memory_space<vmem>>) offsets(%dma_start3A_249 : memref<32xi32, #tpu.memory_space<vmem>>) semaphore(%arg11 : memref<!tpu.dma_semaphore, #tpu.memory_space<semaphore_mem>>)
      } else {
      }
      %add3A_196 = arith.constant 3 : i32
      %add3A_197 = arith.addi %add3A_57, %add3A_196 : i32
      %dma_wait3A_198 = arith.constant 0 : i32
      %dma_wait3A_199 = arith.constant 0 : i32
      %dma_wait3A_200 = tpu.memref_slice %arg3[%dma_wait3A_198, %dma_wait3A_199] : memref<50257x768xf32, #tpu.memory_space<hbm>> -> memref<32x768xf32, #tpu.memory_space<hbm>>
      %dma_wait3A_201 = arith.constant 0 : i32
      %dma_wait3A_202 = arith.constant 0 : i32
      %dma_wait3A_203 = tpu.memref_slice %arg3[%dma_wait3A_201, %dma_wait3A_202] : memref<50257x768xf32, #tpu.memory_space<hbm>> -> memref<32x768xf32, #tpu.memory_space<hbm>>
      tpu.wait_dma2 semaphore(%arg13 : memref<!tpu.dma_semaphore, #tpu.memory_space<semaphore_mem>>) src(%dma_wait3A_203 : memref<32x768xf32, #tpu.memory_space<hbm>>) dst(%arg9 : memref<32x768xf32, #tpu.memory_space<vmem>>)
      %mul3A_204 = arith.constant 2 : i32
      %mul3A_205 = arith.muli %add3A_197, %mul3A_204 : i32
      %add3A_206 = arith.constant 0 : i32
      %add3A_207 = arith.addi %mul3A_205, %add3A_206 : i32
      %dma_start3A_208 = arith.constant 0 : i32
      %dma_start3A_209 = arith.constant 0 : i32
      %dma_start3A_210 = tpu.memref_slice %arg9[%dma_start3A_208, %dma_start3A_209] : memref<32x768xf32, #tpu.memory_space<vmem>> -> memref<16x768xf32, #tpu.memory_space<vmem>>
      %dma_start3A_211 = arith.constant 0 : i32
      %dma_start3A_212 = tpu.memref_slice %arg4[%add3A_207, %mul3A_2, %dma_start3A_211] : memref<64x512x768xf32, #tpu.memory_space<hbm>> -> memref<1x16x768xf32, #tpu.memory_space<hbm>>
      %dma_start3A_213 = tpu.memref_squeeze %dma_start3A_212 : memref<1x16x768xf32, #tpu.memory_space<hbm>> -> memref<16x768xf32, #tpu.memory_space<hbm>>
      %dma_start3A_214 = arith.constant 0 : i32
      %dma_start3A_215 = tpu.memref_slice %arg4[%add3A_207, %mul3A_2, %dma_start3A_214] : memref<64x512x768xf32, #tpu.memory_space<hbm>> -> memref<1x16x768xf32, #tpu.memory_space<hbm>>
      %dma_start3A_216 = tpu.memref_squeeze %dma_start3A_215 : memref<1x16x768xf32, #tpu.memory_space<hbm>> -> memref<16x768xf32, #tpu.memory_space<hbm>>
      %dma_start3A_217 = arith.constant 0 : i32
      %dma_start3A_218 = arith.constant 0 : i32
      %dma_start3A_219 = tpu.memref_slice %arg9[%dma_start3A_217, %dma_start3A_218] : memref<32x768xf32, #tpu.memory_space<vmem>> -> memref<16x768xf32, #tpu.memory_space<vmem>>
      tpu.enqueue_dma source(%dma_start3A_219 : memref<16x768xf32, #tpu.memory_space<vmem>>) target(%dma_start3A_216 : memref<16x768xf32, #tpu.memory_space<hbm>>) target_semaphore(%arg17 : memref<!tpu.dma_semaphore, #tpu.memory_space<semaphore_mem>>)
      %mul3A_220 = arith.constant 2 : i32
      %mul3A_221 = arith.muli %add3A_197, %mul3A_220 : i32
      %add3A_222 = arith.constant 1 : i32
      %add3A_223 = arith.addi %mul3A_221, %add3A_222 : i32
      %dma_start3A_224 = arith.constant 16 : i32
      %dma_start3A_225 = arith.constant 0 : i32
      %dma_start3A_226 = tpu.memref_slice %arg9[%dma_start3A_224, %dma_start3A_225] : memref<32x768xf32, #tpu.memory_space<vmem>> -> memref<16x768xf32, #tpu.memory_space<vmem>>
      %dma_start3A_227 = arith.constant 0 : i32
      %dma_start3A_228 = tpu.memref_slice %arg4[%add3A_223, %mul3A_2, %dma_start3A_227] : memref<64x512x768xf32, #tpu.memory_space<hbm>> -> memref<1x16x768xf32, #tpu.memory_space<hbm>>
      %dma_start3A_229 = tpu.memref_squeeze %dma_start3A_228 : memref<1x16x768xf32, #tpu.memory_space<hbm>> -> memref<16x768xf32, #tpu.memory_space<hbm>>
      %dma_start3A_230 = arith.constant 0 : i32
      %dma_start3A_231 = tpu.memref_slice %arg4[%add3A_223, %mul3A_2, %dma_start3A_230] : memref<64x512x768xf32, #tpu.memory_space<hbm>> -> memref<1x16x768xf32, #tpu.memory_space<hbm>>
      %dma_start3A_232 = tpu.memref_squeeze %dma_start3A_231 : memref<1x16x768xf32, #tpu.memory_space<hbm>> -> memref<16x768xf32, #tpu.memory_space<hbm>>
      %dma_start3A_233 = arith.constant 16 : i32
      %dma_start3A_234 = arith.constant 0 : i32
      %dma_start3A_235 = tpu.memref_slice %arg9[%dma_start3A_233, %dma_start3A_234] : memref<32x768xf32, #tpu.memory_space<vmem>> -> memref<16x768xf32, #tpu.memory_space<vmem>>
      tpu.enqueue_dma source(%dma_start3A_235 : memref<16x768xf32, #tpu.memory_space<vmem>>) target(%dma_start3A_232 : memref<16x768xf32, #tpu.memory_space<hbm>>) target_semaphore(%arg17 : memref<!tpu.dma_semaphore, #tpu.memory_space<semaphore_mem>>)
      %add3A_236 = arith.constant 3 : i32
      %add3A_237 = arith.addi %add3A_197, %add3A_236 : i32
      %lt3A_238 = arith.constant 32 : i32
      %lt3A_239 = arith.cmpi slt, %add3A_237, %lt3A_238 : i32
      %convert_element_type3A_240 = arith.extui %lt3A_239 : i1 to i32
      %cond3A_241 = arith.constant 0 : i32
      %cond3A_242 = arith.cmpi ne, %convert_element_type3A_240, %cond3A_241 : i32
      scf.if %cond3A_242 {
        %ge3A = arith.constant 4 : i32
        %ge3A_243 = arith.cmpi sge, %add3A_237, %ge3A : i32
        %convert_element_type3A_244 = arith.extui %ge3A_243 : i1 to i32
        %cond3A_245 = arith.constant 0 : i32
        %cond3A_246 = arith.cmpi ne, %convert_element_type3A_244, %cond3A_245 : i32
        scf.if %cond3A_246 {
          %dma_wait3A_253 = arith.constant 0 : i32
          %dma_wait3A_254 = arith.constant 0 : i32
          %dma_wait3A_255 = tpu.memref_slice %arg3[%dma_wait3A_253, %dma_wait3A_254] : memref<50257x768xf32, #tpu.memory_space<hbm>> -> memref<32x768xf32, #tpu.memory_space<hbm>>
          %dma_wait3A_256 = arith.constant 0 : i32
          %dma_wait3A_257 = arith.constant 0 : i32
          %dma_wait3A_258 = tpu.memref_slice %arg3[%dma_wait3A_256, %dma_wait3A_257] : memref<50257x768xf32, #tpu.memory_space<hbm>> -> memref<32x768xf32, #tpu.memory_space<hbm>>
          tpu.wait_dma2 semaphore(%arg16 : memref<!tpu.dma_semaphore, #tpu.memory_space<semaphore_mem>>) src(%dma_wait3A_258 : memref<32x768xf32, #tpu.memory_space<hbm>>) dst(%arg8 : memref<32x768xf32, #tpu.memory_space<vmem>>)
        } else {
        }
        %mul3A_247 = arith.constant 32 : i32
        %mul3A_248 = arith.muli %add3A_237, %mul3A_247 : i32
        %dma_start3A_249 = tpu.memref_slice %arg5[%mul3A_248] : memref<1024xi32, #tpu.memory_space<vmem>> -> memref<32xi32, #tpu.memory_space<vmem>>
        %dma_start3A_250 = arith.constant 0 : i32
        %dma_start3A_251 = arith.constant 0 : i32
        %dma_start3A_252 = tpu.memref_slice %arg3[%dma_start3A_250, %dma_start3A_251] : memref<50257x768xf32, #tpu.memory_space<hbm>> -> memref<50257x768xf32, #tpu.memory_space<hbm>>
        tpu.enqueue_indirect_dma source(%dma_start3A_252 : memref<50257x768xf32, #tpu.memory_space<hbm>>) target(%arg8 : memref<32x768xf32, #tpu.memory_space<vmem>>) offsets(%dma_start3A_249 : memref<32xi32, #tpu.memory_space<vmem>>) semaphore(%arg12 : memref<!tpu.dma_semaphore, #tpu.memory_space<semaphore_mem>>)
      } else {
      }
    }
    %scan3A_28 = arith.constant 8 : i32
    %dma_wait3A_29 = arith.constant 0 : i32
    %dma_wait3A_30 = arith.constant 0 : i32
    %dma_wait3A_31 = tpu.memref_slice %arg3[%dma_wait3A_29, %dma_wait3A_30] : memref<50257x768xf32, #tpu.memory_space<hbm>> -> memref<32x768xf32, #tpu.memory_space<hbm>>
    %dma_wait3A_32 = arith.constant 0 : i32
    %dma_wait3A_33 = arith.constant 0 : i32
    %dma_wait3A_34 = tpu.memref_slice %arg3[%dma_wait3A_32, %dma_wait3A_33] : memref<50257x768xf32, #tpu.memory_space<hbm>> -> memref<32x768xf32, #tpu.memory_space<hbm>>
    tpu.wait_dma2 semaphore(%arg14 : memref<!tpu.dma_semaphore, #tpu.memory_space<semaphore_mem>>) src(%dma_wait3A_34 : memref<32x768xf32, #tpu.memory_space<hbm>>) dst(%arg6 : memref<32x768xf32, #tpu.memory_space<vmem>>)
    %dma_wait3A_35 = arith.constant 0 : i32
    %dma_wait3A_36 = arith.constant 0 : i32
    %dma_wait3A_37 = tpu.memref_slice %arg3[%dma_wait3A_35, %dma_wait3A_36] : memref<50257x768xf32, #tpu.memory_space<hbm>> -> memref<32x768xf32, #tpu.memory_space<hbm>>
    %dma_wait3A_38 = arith.constant 0 : i32
    %dma_wait3A_39 = arith.constant 0 : i32
    %dma_wait3A_40 = tpu.memref_slice %arg3[%dma_wait3A_38, %dma_wait3A_39] : memref<50257x768xf32, #tpu.memory_space<hbm>> -> memref<32x768xf32, #tpu.memory_space<hbm>>
    tpu.wait_dma2 semaphore(%arg15 : memref<!tpu.dma_semaphore, #tpu.memory_space<semaphore_mem>>) src(%dma_wait3A_40 : memref<32x768xf32, #tpu.memory_space<hbm>>) dst(%arg7 : memref<32x768xf32, #tpu.memory_space<vmem>>)
    %dma_wait3A_41 = arith.constant 0 : i32
    %dma_wait3A_42 = arith.constant 0 : i32
    %dma_wait3A_43 = tpu.memref_slice %arg3[%dma_wait3A_41, %dma_wait3A_42] : memref<50257x768xf32, #tpu.memory_space<hbm>> -> memref<32x768xf32, #tpu.memory_space<hbm>>
    %dma_wait3A_44 = arith.constant 0 : i32
    %dma_wait3A_45 = arith.constant 0 : i32
    %dma_wait3A_46 = tpu.memref_slice %arg3[%dma_wait3A_44, %dma_wait3A_45] : memref<50257x768xf32, #tpu.memory_space<hbm>> -> memref<32x768xf32, #tpu.memory_space<hbm>>
    tpu.wait_dma2 semaphore(%arg16 : memref<!tpu.dma_semaphore, #tpu.memory_space<semaphore_mem>>) src(%dma_wait3A_46 : memref<32x768xf32, #tpu.memory_space<hbm>>) dst(%arg8 : memref<32x768xf32, #tpu.memory_space<vmem>>)
    %dma_wait3A_47 = arith.constant 0 : i32
    %dma_wait3A_48 = arith.constant 0 : i32
    %dma_wait3A_49 = tpu.memref_slice %arg3[%dma_wait3A_47, %dma_wait3A_48] : memref<50257x768xf32, #tpu.memory_space<hbm>> -> memref<32x768xf32, #tpu.memory_space<hbm>>
    %dma_wait3A_50 = arith.constant 0 : i32
    %dma_wait3A_51 = arith.constant 0 : i32
    %dma_wait3A_52 = tpu.memref_slice %arg3[%dma_wait3A_50, %dma_wait3A_51] : memref<50257x768xf32, #tpu.memory_space<hbm>> -> memref<32x768xf32, #tpu.memory_space<hbm>>
    tpu.wait_dma2 semaphore(%arg17 : memref<!tpu.dma_semaphore, #tpu.memory_space<semaphore_mem>>) src(%dma_wait3A_52 : memref<32x768xf32, #tpu.memory_space<hbm>>) dst(%arg9 : memref<32x768xf32, #tpu.memory_space<vmem>>)
    return
  }
}

module attributes {stable_mosaic.version = 14 : i64} {
  func.func @_tc_add_body(%arg0: i32, %arg1: memref<4x512x768xf32, #tpu.memory_space<vmem>>, %arg2: memref<512x768xf32, #tpu.memory_space<vmem>>, %arg3: memref<4x512x768xf32, #tpu.memory_space<vmem>>) attributes {dimension_semantics = [#tpu.dimension_semantics<arbitrary>], iteration_bounds = array<i64: 16>, scalar_prefetch = 0 : i64, scratch_operands = 0 : i64, tpu.core_type = #tpu.core_type<tc>, window_params = [{transform_indices = @transform_0, window_bounds = array<i64: 4, 512, 768>}, {pipeline_mode = #tpu.pipeline_mode<synchronous>, transform_indices = @transform_1, window_bounds = array<i64: 512, 768>}, {transform_indices = @transform_2, window_bounds = array<i64: 4, 512, 768>}]} {
    %get3A = arith.constant 0 : index
    %get3A_0 = arith.constant 0 : index
    %get3A_1 = arith.constant 0 : index
    %get3A_2 = vector.load %arg1[%get3A, %get3A_0, %get3A_1] : memref<4x512x768xf32, #tpu.memory_space<vmem>>, vector<4x512x768xf32>
    %get3A_3 = arith.constant 0 : index
    %get3A_4 = arith.constant 0 : index
    %get3A_5 = vector.load %arg2[%get3A_3, %get3A_4] : memref<512x768xf32, #tpu.memory_space<vmem>>, vector<512x768xf32>
    %broadcast_in_dim3A = vector.shape_cast %get3A_5 : vector<512x768xf32> to vector<1x512x768xf32>
    %add3A = vector.broadcast %broadcast_in_dim3A : vector<1x512x768xf32> to vector<4x512x768xf32>
    %add3A_6 = arith.addf %get3A_2, %add3A : vector<4x512x768xf32>
    %swap3A = arith.constant 0 : index
    %swap3A_7 = arith.constant 0 : index
    %swap3A_8 = arith.constant 0 : index
    %swap3A_9 = vector.load %arg3[%swap3A, %swap3A_7, %swap3A_8] : memref<4x512x768xf32, #tpu.memory_space<vmem>>, vector<4x512x768xf32>
    tpu.vector_store %arg3[%swap3A, %swap3A_7, %swap3A_8], %add3A_6 {strides = array<i32>} : memref<4x512x768xf32, #tpu.memory_space<vmem>>, vector<4x512x768xf32>,
    return
  }
  func.func @transform_0(%arg0: i32) -> (i32, i32, i32) {
    %c0_i32 = arith.constant 0 : i32
    %c0_i32_0 = arith.constant 0 : i32
    %c0_i32_1 = arith.constant 0 : i32
    return %arg0, %c0_i32, %c0_i32_0 : i32, i32, i32
  }
  func.func @transform_1(%arg0: i32) -> (i32, i32) {
    %c0_i32 = arith.constant 0 : i32
    %c0_i32_0 = arith.constant 0 : i32
    %c0_i32_1 = arith.constant 0 : i32
    return %c0_i32, %c0_i32_0 : i32, i32
  }
  func.func @transform_2(%arg0: i32) -> (i32, i32, i32) {
    %c0_i32 = arith.constant 0 : i32
    %c0_i32_0 = arith.constant 0 : i32
    %c0_i32_1 = arith.constant 0 : i32
    return %arg0, %c0_i32, %c0_i32_0 : i32, i32, i32
  }
}

</mosaic_0001>

<sc_bundles>
// kernel: _embed.4.cloned.1.call-start
scs
__scs_entry_jumppad:
0x0: {  	(pc) =	sbr.rel $0x88, $3  }
0x1: {  	(tag) =	ssettag $0x0;
	lr =	simm.s32 $0x1  }
0x2: {  	[smem:$0x3F9E] =	sst lr;
	_ =	strace $0xD0000000  }
0x3: {  	_ = 	snop  }
0x4: {  	_ = 	snop  }
0x5: {  	_ = 	snop  }
0x6: {  	_ = 	snop  }
0x7: {  	_ = 	snop  }
__scs_overlays_trampoline_lowered:
0x8: {  	[smem:$0x3FAD] =	sst s0  }
0x9: {  	[smem:$0x3FAE] =	sst s1  }
0xa: {  	[smem:$0x3FAF] =	sst s2  }
0xb: {  	[smem:$0x3FB0] =	sst s3  }
0xc: {  	[smem:$0x3FB1] =	sst s4  }
0xd: {  	[smem:$0x3FB2] =	sst s5  }
0xe: {  	[smem:$0x3FB3] =	sst s6  }
0xf: {  	[smem:$0x3FB4] =	sst s7  }
0x10: {  	[smem:$0x3FB5] =	sst s8  }
0x11: {  	[smem:$0x3FB6] =	sst s9;
	s0 =	simm.s32 @!p0 $0x0  }
0x12: {  	s1 =	sld [smem:$0x3F9C];
	s0 =	simm.s32 @p0 $0x1  }
0x13: {  	[smem:$0x3FB7] =	sst s0;
	s0 =	simm.s32 @!p1 $0x0  }
0x14: {  	s2 =	sld [smem:$0x3F9B];
	s0 =	simm.s32 @p1 $0x1  }
0x15: {  	[smem:$0x3FB8] =	sst s0;
	s0 =	simm.s32 @!p2 $0x0  }
0x16: {  	s3 =	sld [smem:$0x3FDB];
	s0 =	simm.s32 @p2 $0x1  }
0x17: {  	s4 =	simm.s32 $0x1BF5;
	[smem:$0x3FBA] =	sst s0  }
0x18: {  	s0 =	sld [smem:$0x3F9D];
	_ =	swait.ge [sflag:s4], $0x0  }
0x19: {  	s7 =	sld [smem:$0x3F9E]  }
0x1a: {  	s8 =	sadd.s32 $0xFFFFE003, lr  }
0x1b: {  	s9 =	sadd.s32 $0xFFFFFEF7, lr;
	s5 =	simm.s32 $0xFFFFFFFF;
	p2 =	slt.u32 s8, $0xFFFFF086  }
0x1c: {  	p1 =	slt.u32 s9, $0xF7A;
	s5 =	simm.s32 @!p2 $0x0  }
0x1d: {  	s5 =	simm.s32 @p1 $0x1;
	p0 =	seq.s32 s7, s2  }
0x1e: {  	s7 =	smul.u32 @!p0 $0xF7A, s2;
	p2 =	seq.s32 @!p0 s5, $0x0  }
0x1f: {  	s9 =	smul.u32 $0xF7A, s1;
	s8 =	simm.s32 @!p0 $0x1BF5;
	p2 =	por !p2, p0  }
0x20: {  	[sflag:s8] =	ssyncset.s32 @!p0 $0xFFFFF086;
	s6 =	sadd.s32 @!p0 s3, s7;
	s7 =	simm.s32 @!p0 $0x108  }
0x21: {  	s3 =	sadd.s32 s3, s9;
	s6 =	sadd.s32 @!p0 $0x88, s6;
	s7 =	simm.s32 @p2 $0x1082  }
0x22: {  	[simem:s7], [sflag:s8] =	dma.local @!p0 [hbm:s6], $0xF7A  }
0x23: {  	s9 =	sor.u32 $0xD0000000, s2;
	s6 =	simm.s32 $0x108;
	_ =	swait.ge @!p0 [sflag:s8], $0x0  }
0x24: {  	s3 =	sadd.s32 $0x88, s3;
	s6 =	simm.s32 @!p1 $0x1082;
	[sflag:s4] =	ssyncset.s32 $0xFFFFF086  }
0x25: {  	[simem:s6], [sflag:s4] =	dma.local [hbm:s3], $0xF7A  }
0x26: {  	[smem:$0x3F9E] =	sst s1;
	(tag) =	ssettag s2;
	_ =	strace s9  }
0x27: {  	s1 =	sld [smem:$0x3FAE]  }
0x28: {  	s2 =	sld [smem:$0x3FAF]  }
0x29: {  	s4 =	sld [smem:$0x3FB1]  }
0x2a: {  	p0 =	seq.s32 s5, $0x0;
	s5 =	sld [smem:$0x3FB2]  }
0x2b: {  	s6 =	sld [smem:$0x3FB3]  }
0x2c: {  	s7 =	sld [smem:$0x3FB4]  }
0x2d: {  	s3 =	simm.s32 $0x108;
	s8 =	sld [smem:$0x3FB5]  }
0x2e: {  	s3 =	simm.s32 @!p0 $0x1082;
	s9 =	sld [smem:$0x3FB6]  }
0x2f: {  	lr =	sadd.s32 s0, s3;
	s0 =	sld [smem:$0x3FAD]  }
0x30: {  	s3 =	sld [smem:$0x3FB0]  }
0x31: {  	[smem:$0x3FB9] =	sst s10  }
0x32: {  	s10 =	sld [smem:$0x3FB7];
	_ =	sdelay $0x3  }
0x33: {  	p0 =	seq.s32 s10, $0x1;
	s10 =	sld [smem:$0x3FB9];
	_ =	sdelay $0x3  }
0x34: {  	[smem:$0x3FB9] =	sst s10  }
0x35: {  	s10 =	sld [smem:$0x3FB8];
	_ =	sdelay $0x3  }
0x36: {  	p1 =	seq.s32 s10, $0x1;
	s10 =	sld [smem:$0x3FB9];
	_ =	sdelay $0x3  }
0x37: {  	[smem:$0x3FB9] =	sst s10  }
0x38: {  	s10 =	sld [smem:$0x3FBA]  }
0x39: {  	_ = 	snop;
	(pc) =	sbr.ind lr, $3  }
0x3a: {  	_ = 	snop  }
0x3b: {  	_ = 	snop  }
0x3c: {  	p2 =	seq.s32 s10, $0x1;
	s10 =	sld [smem:$0x3FB9]  }
0x3d: {  	_ =	shalt  }
0x3e: {  	_ =	shalt  }
0x3f: {  	_ =	shalt  }
0x40: {  	_ =	shalt  }
0x41: {  	_ =	shalt  }
0x42: {  	_ =	shalt  }
0x43: {  	_ =	shalt  }
0x44: {  	_ =	shalt  }
0x45: {  	_ =	shalt  }
0x46: {  	_ =	shalt  }
0x47: {  	_ =	shalt  }
0x48: {  	_ =	shalt  }
0x49: {  	_ =	shalt  }
0x4a: {  	_ =	shalt  }
0x4b: {  	_ =	shalt  }
0x4c: {  	_ =	shalt  }
0x4d: {  	_ =	shalt  }
0x4e: {  	_ =	shalt  }
0x4f: {  	_ =	shalt  }
0x50: {  	_ =	shalt  }
0x51: {  	_ =	shalt  }
0x52: {  	_ =	shalt  }
0x53: {  	_ =	shalt  }
0x54: {  	_ =	shalt  }
0x55: {  	_ =	shalt  }
0x56: {  	_ =	shalt  }
0x57: {  	_ =	shalt  }
0x58: {  	_ =	shalt  }
0x59: {  	_ =	shalt  }
0x5a: {  	_ =	shalt  }
0x5b: {  	_ =	shalt  }
0x5c: {  	_ =	shalt  }
0x5d: {  	_ =	shalt  }
0x5e: {  	_ =	shalt  }
0x5f: {  	_ =	shalt  }
0x60: {  	_ =	shalt  }
0x61: {  	_ =	shalt  }
0x62: {  	_ =	shalt  }
0x63: {  	_ =	shalt  }
0x64: {  	_ =	shalt  }
0x65: {  	_ =	shalt  }
0x66: {  	_ =	shalt  }
0x67: {  	_ =	shalt  }
0x68: {  	_ =	shalt  }
0x69: {  	_ =	shalt  }
0x6a: {  	_ =	shalt  }
0x6b: {  	_ =	shalt  }
0x6c: {  	_ =	shalt  }
0x6d: {  	_ =	shalt  }
0x6e: {  	_ =	shalt  }
0x6f: {  	_ =	shalt  }
0x70: {  	_ =	shalt  }
0x71: {  	_ =	shalt  }
0x72: {  	_ =	shalt  }
0x73: {  	_ =	shalt  }
0x74: {  	_ =	shalt  }
0x75: {  	_ =	shalt  }
0x76: {  	_ =	shalt  }
0x77: {  	_ =	shalt  }
0x78: {  	_ =	shalt  }
0x79: {  	_ =	shalt  }
0x7a: {  	_ =	shalt  }
0x7b: {  	_ =	shalt  }
0x7c: {  	_ =	shalt  }
0x7d: {  	_ =	shalt  }
0x7e: {  	_ =	shalt  }
0x7f: {  	_ =	shalt  }
0x80: {  	_ =	shalt  }
0x81: {  	_ =	shalt  }
0x82: {  	_ =	shalt  }
0x83: {  	_ =	shalt  }
0x84: {  	_ =	shalt  }
0x85: {  	_ =	shalt  }
0x86: {  	_ =	shalt  }
0x87: {  	_ =	shalt  }
.Lfunc_end0:
.L_simem_size_0:
called_computation_lowered:
.L_overlay_start_0:
0x88: {  	s2 =	sld [smem:$0x3FD9]  }
0x89: {  	s3 =	sld [smem:$0x3FFE];
	_ =	sdelay $0x1  }
0x8a: {  	s1 =	srdreg.scid  }
0x8b: {  	s0 =	sand.u32 $0x1, s1  }
0x8c: {  	s17 =	sshll.u32 s0, $0xA;
	s2 =	sadd.s32 s3, s2  }
0x8d: {  	s2 =	sadd.s32 s2, s17  }
0x8e: {  	[smem:$0x3FC5] =	sst s2  }
0x8f: {  	_ = 	snop  }
0x90: {  	s2 =	sld [smem:$0x3FC8]  }
0x91: {  	s18 =	sld [smem:$0x3FD0];
	(tm) =	ssettm $0x1  }
0x92: {  	s4 =	sld [smem:$0x3FFB];
	_ =	sdelay $0x3  }
0x93: {  	_ =	strace s4  }
0x94: {  	s4 =	sld [smem:$0x3FFC];
	_ =	sdelay $0x3  }
0x95: {  	_ =	strace s4  }
0x96: {  	s4 =	sld [smem:$0x3FFD];
	_ =	sdelay $0x3  }
0x97: {  	_ =	strace s4  }
0x98: {  	_ =	strace $0x8FFFFFFF  }
0x99: {  	s19 =	sld [smem:$0x3FDB];
	_ =	sdelay $0x1  }
0x9a: {  	s5 =	simm.s32 $_scs_section_size  }
0x9b: {  	s6 =	simm.s32 $_size__tile_overlayer_lowered;
	s7 =	simm.s32 $_tile_overlayer_lowered  }
0x9c: {  	s22 =	simm.s32 $0x1BFF;
	s21 =	sshll.u32 s7, $0x1;
	s4 =	sadd.s32 s5, s19  }
0x9d: {  	s8 =	simm.s32 $0x0;
	s20 =	sshll.u32 s6, $0x1;
	s6 =	sadd.s32 s21, s4  }
0x9e: {  	[timem:s8], [sflag:s22] =	dma.local [hbm:s6], s20  }
0x9f: {  	_ =	swait.ge [sflag:s22], s20  }
0xa0: {  	s5 =	ssub.s32 $0x0, s20;
	[sflag:s22] =	ssyncset.done $0x0  }
0xa1: {  	[sflag:s22] =	ssyncadd.s32 s5;
	_ =	sdelay $0x1  }
0xa2: {  	s23 =	simm.s32 $0x1B8B  }
0xa3: {  	_ =	swait.ge [sflag:s23], $0x1  }
0xa4: {  	[sflag:s23] =	ssyncset.done $0x0  }
0xa5: {  	s25 =	simm.s32 $0x1B8E;
	s24 =	sld [smem:$0x3FFE];
	[sflag:s23] =	ssyncadd.s32 $0xFFFFFFFF  }
0xa6: {  	s26 =	simm.s32 $execute0_lowered;
	[smem:$0x3FD2] =	sst s25  }
0xa7: {  	s6 =	sshll.u32 s26, $0x1;
	_ =	strace $0x80000046;
	[dreg:$0x1] =	wrdreg $0xFFFFFFFF  }
0xa8: {  	s28 =	simm.s32 $_size_execute0_lowered;
	s4 =	sadd.s32 s4, s6;
	[dreg:$0x0] =	wrdreg $0x0  }
0xa9: {  	s6 =	sshll.u32 s28, $0x1;
	[dreg:$0x2] =	wrdreg s4  }
0xaa: {  	[dreg:$0x3] =	wrdreg s6  }
0xab: {  	[dreg:$0x4] =	wrdreg $0xC0  }
0xac: {  	_ =	task [dreg:s8], $0x5FFFF  }
0xad: {  	[dreg:$0x1] =	wrdreg $0xFFFFFFFF  }
0xae: {  	[dreg:$0x0] =	wrdreg $0x60  }
0xaf: {  	[dreg:$0x2] =	wrdreg s24  }
0xb0: {  	[dreg:$0x3] =	wrdreg s2  }
0xb1: {  	[dreg:$0x4] =	wrdreg s18  }
0xb2: {  	[dreg:$0x5] =	wrdreg $0x9  }
0xb3: {  	_ =	task.clear_ibuf [dreg:s8], $0x6FFFF;
	_ =	strace $0x90000046  }
0xb4: {  	s29 =	simm.s32 $0x9;
	_ =	strace $0x80000048  }
0xb5: {  	_ =	swait.ge [sflag:s29], $0x1  }
0xb6: {  	[sflag:s29] =	ssyncadd.s32 $0xFFFFFFFF  }
0xb7: {  	_ =	strace $0x90000048  }
0xb8: {  	_ =	sfence  }
0xb9: {  	s30 =	sld [smem:$0x0];
	_ =	sdelay $0x2  }
0xba: {  	s31 =	sshll.u32 s1, $0xD;
	s1 =	sshrl.u32 s1, $0x2  }
0xbb: {  	s3 =	sand.u32 $0x4000, s31;
	s1 =	sadd.s32 s1, s30  }
0xbc: {  	s0 =	sor.u32 s3, s0;
	s1 =	sshll.u32 s1, $0x11  }
0xbd: {  	s0 =	sor.u32 s1, s0  }
0xbe: {  	s0 =	sadd.s32 $0x8F2B, s0  }
0xbf: {  	[sflag:s0] =	ssyncadd.remote.s32 $0x1  }
0xc0: {  	_ =	sfence.sel $0xFFFF  }
0xc1: {  	[dreg:$0x0] =	wrdreg $0xFFFFFFFF;
	(pc) =	sbr.abs _section_cstart, $3  }
0xc2: {  	[dreg:$0x1] =	wrdreg $0xFFFFFFFF  }
0xc3: {  	_ =	task.clear_ibuf [dreg:s8], $0x2FFFF;
	_ =	strace $0x9FFFFFFF  }
0xc4: {  	(tm) =	ssettm $0x7FFFFFFF  }
0xc5: {  	_ =	shalt  }
tec
execute0_lowered:
.L_overlay_start_1:
0x0: {  	(tag) =	ssettag $0x1  }
0x1: {  	s0 =	rddreg [dreg:$0x0]  }
0x2: {  	s2 =	rddreg [dreg:$0x1]  }
0x3: {  	s1 =	rddreg [dreg:$0x2];
	s3 =	srdreg.scid  }
0x4: {  	s5 =	stileid.u32;
	s12 =	simm.s32 $0xC400;
	s19 =	simm.s32 $0xF400  }
0x5: {  	s25 =	simm.s32 $0x11C00;
	s26 =	simm.s32 $0x1;
	s28 =	simm.s32 $0x12400  }
0x6: {  	s30 =	simm.s32 $0x12C00;
	s31 =	simm.s32 $0x13400;
	s11 =	simm.s32 $0x14C00  }
0x7: {  	s9 =	simm.s32 $0x15C00;
	s10 =	simm.s32 $0x16400;
	s16 =	simm.s32 $0x16C00  }
0x8: {  	s22 =	simm.s32 $0x17400;
	s13 =	simm.s32 $0x17C00;
	s14 =	simm.s32 $0x2  }
0x9: {  	s15 =	simm.s32 $0x3;
	s17 =	simm.s32 $0x4;
	s18 =	simm.s32 $0x7  }
0xa: {  	s23 =	simm.s32 $0x0;
	s4 =	sand.u32 $0x1, s3;
	s3 =	simm.s32 $0x0  }
0xb: {  	s5 =	sshll.u32 s5, $0x5;
	s6 =	sshll.u32 s4, $0x4;
	[smem:$0x7FF] =	sst s3  }
0xc: {  	s4 =	ssub.s32 $0x2, s4;
	s5 =	sor.u32 s6, s5;
	_ =	strace $0x80000047  }
.Ltmp0:
0xd: {  	s29 =	sshrl.u32 s4, $0x1;
	s5 =	sshrl.u32 s5, $0x3;
	(pc) =	sbr.rel .LBB2_1-.Ltmp0, $4  }
0xe: {  	s6 =	ssub.s32 s4, s29;
	s4 =	sadd.s32 $0x100, s2;
	s0 =	sadd.s32 s5, s0  }
0xf: {  	v2 =	vlaneseq.u32;
	s8 =	smul.u32 $0x300, s5;
	s5 =	sadd.s32 $0x200, s2;
	s6 =	smax.u32 s6, $0x1  }
0x10: {  	vm0 =	vmmov $0xffff;
	v1 =	vshrl.u32 v2, $0x3;
	[dreg:$0x4] =	wrdreg s6;
	s7 =	sadd.s32 $0x600, s0;
	s0 =	simm.s32 $0x13C00  }
0x11: {  	v0 =	vand.u32 $0x7, v2;
	v2 =	vor.u32 $0x8, v2;
	v1 =	vmul.u32 $0x8, v1;
	s6 =	simm.s32 $0x15400;
	s8 =	sadd.s32 s8, s1;
	s1 =	simm.s32 $0x14400  }
.LBB2_6:
0x12: {  	s20 =	simm.s32 $0x5  }
0x13: {  	_ =	swait.ge [sflag:s20], $0x6000  }
0x14: {  	[sflag:s20] =	ssyncset.done $0x0  }
0x15: {  	s24 =	simm.s32 $0x6;
	[sflag:s20] =	ssyncadd.s32 $0xFFFFA000  }
0x16: {  	_ =	swait.ge [sflag:s24], $0x6000  }
0x17: {  	[sflag:s24] =	ssyncset.done $0x0  }
0x18: {  	[sflag:s24] =	ssyncadd.s32 $0xFFFFA000  }
0x19: {  	_ =	swait.ge [sflag:s18], $0x6000  }
0x1a: {  	[sflag:s18] =	ssyncset.done $0x0  }
0x1b: {  	s21 =	simm.s32 $0x8;
	[sflag:s18] =	ssyncadd.s32 $0xFFFFA000  }
0x1c: {  	_ =	swait.ge [sflag:s21], $0x6000  }
0x1d: {  	s23 =	rddreg [dreg:$0x5]  }
0x1e: {  	s29 =	rddreg [dreg:$0x4];
	s23 =	sadd.s32 $0x1, s23  }
0x1f: {  	p0 =	sne.s32 s23, s29  }
.Ltmp1:
0x20: {  	_ = 	snop;
	(pc) =	sbr.rel @!p0 .LBB2_7-.Ltmp1, $3  }
0x21: {  	_ =	sdelay $0x1  }
0x22: {  	[sflag:s21] =	ssyncset.done $0x0  }
0x23: {  	[sflag:s21] =	ssyncadd.s32 $0xFFFFA000  }
.LBB2_1:
0x24: {  	[dreg:$0x5] =	wrdreg s23  }
0x25: {  	s20 =	simm.s32 $0x40;
	s21 =	simm.s32 $0x0;
	s23 =	sadd.s32 $0x0, s7  }
.LBB2_2:
0x26: {  	[tilespmem:s21], [sflag:$0x9] =	stream.linear.gather [hbm4b:s23+s3], $0x10, $0x38;
	[tilespmem:$0x18400] =	vst v63  }
0x27: {  	s23 =	smov.u32 s20;
	p0 =	sne.s32 s20, $0xFC0  }
.Ltmp2:
0x28: {  	s20 =	sadd.s32 $0x40, s20;
	(pc) =	sbr.rel @p0 .LBB2_2-.Ltmp2, $2  }
0x29: {  	_ =	sdelay $0x2  }
0x2a: {  	s21 =	sshra.s32 s23, $0x2;
	s23 =	sadd.s32 s23, s7  }
0x2b: {  	[tilespmem:s21], [sflag:$0x9] =	stream.linear.gather [hbm4b:s23+s3], $0x10, $0x38;
	[tilespmem:$0x18400] =	vst v63  }
0x2c: {  	s20 =	simm.s32 $0x9  }
0x2d: {  	_ =	swait.ge [sflag:s20], $0x400  }
0x2e: {  	[sflag:s20] =	ssyncset.done $0x0  }
0x2f: {  	[sflag:s20] =	ssyncadd.s32 $0xFFFFFC00  }
0x30: {  	v3 =	vld [tilespmem:$0x0];
	_ =	sdelay $0x4  }
0x31: {  	v4 =	vshrl.u32 v3, $0x3  }
0x32: {  	v4 =	vmul.u32 $0x30, v4  }
0x33: {  	v3 =	vand.u32 $0x7, v3  }
0x34: {  	v3 =	vor.u32 v3, v4  }
0x35: {  	v4 =	vperm.xlane v3, v0;
	_ =	sdelay $0x1  }
0x36: {  	v4 =	vadd.s32 v1, v4;
	_ =	sdelay $0x3  }
0x37: {  	s29 =	simm.s32 $0x0;
	s21 =	simm.s32 $0x400;
	v3 =	vperm.xlane v3, v2  }
0x38: {  	[tilespmem:s21], [sflag:$0x1] =	stream.indirect_vreg.gather [hbm4b:s2+s29], $0x80, v4, vm0, $0xb8;
	[tilespmem:$0x18400] =	vst v63  }
0x39: {  	s23 =	simm.s32 $0xC00;
	v3 =	vadd.s32 v1, v3  }
0x3a: {  	[tilespmem:s23], [sflag:$0x1] =	stream.indirect_vreg.gather [hbm4b:s4+s29], $0x80, v4, vm0, $0xb8;
	[tilespmem:$0x18400] =	vst v63  }
0x3b: {  	s24 =	simm.s32 $0x1400  }
0x3c: {  	[tilespmem:s24], [sflag:$0x1] =	stream.indirect_vreg.gather [hbm4b:s5+s29], $0x80, v4, vm0, $0xb8;
	[tilespmem:$0x18400] =	vst v63  }
0x3d: {  	s21 =	simm.s32 $0x1C00  }
0x3e: {  	[tilespmem:s21], [sflag:$0x1] =	stream.indirect_vreg.gather [hbm4b:s2+s29], $0x80, v3, vm0, $0xb8;
	[tilespmem:$0x18400] =	vst v63  }
0x3f: {  	s23 =	simm.s32 $0x2400  }
0x40: {  	[tilespmem:s23], [sflag:$0x1] =	stream.indirect_vreg.gather [hbm4b:s4+s29], $0x80, v3, vm0, $0xb8;
	[tilespmem:$0x18400] =	vst v63  }
0x41: {  	s24 =	simm.s32 $0x2C00  }
0x42: {  	[tilespmem:s24], [sflag:$0x1] =	stream.indirect_vreg.gather [hbm4b:s5+s29], $0x80, v3, vm0, $0xb8;
	[tilespmem:$0x18400] =	vst v63  }
0x43: {  	v3 =	vld [tilespmem:$0x10];
	_ =	sdelay $0x4  }
0x44: {  	v59 =	vshrl.u32 v3, $0x3  }
0x45: {  	v4 =	vmul.u32 $0x30, v59  }
0x46: {  	v3 =	vand.u32 $0x7, v3  }
0x47: {  	v3 =	vor.u32 v3, v4  }
0x48: {  	v4 =	vperm.xlane v3, v0;
	_ =	sdelay $0x1  }
0x49: {  	v4 =	vadd.s32 v1, v4;
	_ =	sdelay $0x3  }
0x4a: {  	s21 =	simm.s32 $0x3400;
	v3 =	vperm.xlane v3, v2  }
0x4b: {  	[tilespmem:s21], [sflag:$0x1] =	stream.indirect_vreg.gather [hbm4b:s2+s29], $0x80, v4, vm0, $0xb8;
	[tilespmem:$0x18400] =	vst v63  }
0x4c: {  	s23 =	simm.s32 $0x3C00;
	v3 =	vadd.s32 v1, v3  }
0x4d: {  	[tilespmem:s23], [sflag:$0x1] =	stream.indirect_vreg.gather [hbm4b:s4+s29], $0x80, v4, vm0, $0xb8;
	[tilespmem:$0x18400] =	vst v63  }
0x4e: {  	s24 =	simm.s32 $0x4400  }
0x4f: {  	[tilespmem:s24], [sflag:$0x1] =	stream.indirect_vreg.gather [hbm4b:s5+s29], $0x80, v4, vm0, $0xb8;
	[tilespmem:$0x18400] =	vst v63  }
0x50: {  	s21 =	simm.s32 $0x4C00  }
0x51: {  	[tilespmem:s21], [sflag:$0x1] =	stream.indirect_vreg.gather [hbm4b:s2+s29], $0x80, v3, vm0, $0xb8;
	[tilespmem:$0x18400] =	vst v63  }
0x52: {  	s23 =	simm.s32 $0x5400  }
0x53: {  	[tilespmem:s23], [sflag:$0x1] =	stream.indirect_vreg.gather [hbm4b:s4+s29], $0x80, v3, vm0, $0xb8;
	[tilespmem:$0x18400] =	vst v63  }
0x54: {  	s24 =	simm.s32 $0x5C00  }
0x55: {  	[tilespmem:s24], [sflag:$0x1] =	stream.indirect_vreg.gather [hbm4b:s5+s29], $0x80, v3, vm0, $0xb8;
	[tilespmem:$0x18400] =	vst v63  }
0x56: {  	v3 =	vld [tilespmem:$0x20];
	_ =	sdelay $0x4  }
0x57: {  	v60 =	vshrl.u32 v3, $0x3  }
0x58: {  	v4 =	vmul.u32 $0x30, v60  }
0x59: {  	v3 =	vand.u32 $0x7, v3  }
0x5a: {  	v3 =	vor.u32 v3, v4  }
0x5b: {  	v4 =	vperm.xlane v3, v0;
	_ =	sdelay $0x1  }
0x5c: {  	v4 =	vadd.s32 v1, v4;
	_ =	sdelay $0x3  }
0x5d: {  	s21 =	simm.s32 $0x6400;
	v3 =	vperm.xlane v3, v2  }
0x5e: {  	[tilespmem:s21], [sflag:$0x2] =	stream.indirect_vreg.gather [hbm4b:s2+s29], $0x80, v4, vm0, $0xb8;
	[tilespmem:$0x18400] =	vst v63  }
0x5f: {  	s23 =	simm.s32 $0x6C00;
	v3 =	vadd.s32 v1, v3  }
0x60: {  	[tilespmem:s23], [sflag:$0x2] =	stream.indirect_vreg.gather [hbm4b:s4+s29], $0x80, v4, vm0, $0xb8;
	[tilespmem:$0x18400] =	vst v63  }
0x61: {  	s24 =	simm.s32 $0x7400  }
0x62: {  	[tilespmem:s24], [sflag:$0x2] =	stream.indirect_vreg.gather [hbm4b:s5+s29], $0x80, v4, vm0, $0xb8;
	[tilespmem:$0x18400] =	vst v63  }
0x63: {  	s21 =	simm.s32 $0x7C00  }
0x64: {  	[tilespmem:s21], [sflag:$0x2] =	stream.indirect_vreg.gather [hbm4b:s2+s29], $0x80, v3, vm0, $0xb8;
	[tilespmem:$0x18400] =	vst v63  }
0x65: {  	s23 =	simm.s32 $0x8400  }
0x66: {  	[tilespmem:s23], [sflag:$0x2] =	stream.indirect_vreg.gather [hbm4b:s4+s29], $0x80, v3, vm0, $0xb8;
	[tilespmem:$0x18400] =	vst v63  }
0x67: {  	s24 =	simm.s32 $0x8C00  }
0x68: {  	[tilespmem:s24], [sflag:$0x2] =	stream.indirect_vreg.gather [hbm4b:s5+s29], $0x80, v3, vm0, $0xb8;
	[tilespmem:$0x18400] =	vst v63  }
0x69: {  	v3 =	vld [tilespmem:$0x30];
	_ =	sdelay $0x4  }
0x6a: {  	v61 =	vshrl.u32 v3, $0x3  }
0x6b: {  	v4 =	vmul.u32 $0x30, v61  }
0x6c: {  	v3 =	vand.u32 $0x7, v3  }
0x6d: {  	v3 =	vor.u32 v3, v4  }
0x6e: {  	v4 =	vperm.xlane v3, v0;
	_ =	sdelay $0x1  }
0x6f: {  	v4 =	vadd.s32 v1, v4;
	_ =	sdelay $0x3  }
0x70: {  	s21 =	simm.s32 $0x9400;
	v3 =	vperm.xlane v3, v2  }
0x71: {  	[tilespmem:s21], [sflag:$0x2] =	stream.indirect_vreg.gather [hbm4b:s2+s29], $0x80, v4, vm0, $0xb8;
	[tilespmem:$0x18400] =	vst v63  }
0x72: {  	s23 =	simm.s32 $0x9C00;
	v3 =	vadd.s32 v1, v3  }
0x73: {  	[tilespmem:s23], [sflag:$0x2] =	stream.indirect_vreg.gather [hbm4b:s4+s29], $0x80, v4, vm0, $0xb8;
	[tilespmem:$0x18400] =	vst v63  }
0x74: {  	s24 =	simm.s32 $0xA400  }
0x75: {  	[tilespmem:s24], [sflag:$0x2] =	stream.indirect_vreg.gather [hbm4b:s5+s29], $0x80, v4, vm0, $0xb8;
	[tilespmem:$0x18400] =	vst v63  }
0x76: {  	s21 =	simm.s32 $0xAC00  }
0x77: {  	[tilespmem:s21], [sflag:$0x2] =	stream.indirect_vreg.gather [hbm4b:s2+s29], $0x80, v3, vm0, $0xb8;
	[tilespmem:$0x18400] =	vst v63  }
0x78: {  	s23 =	simm.s32 $0xB400  }
0x79: {  	[tilespmem:s23], [sflag:$0x2] =	stream.indirect_vreg.gather [hbm4b:s4+s29], $0x80, v3, vm0, $0xb8;
	[tilespmem:$0x18400] =	vst v63  }
0x7a: {  	s24 =	simm.s32 $0xBC00  }
0x7b: {  	[tilespmem:s24], [sflag:$0x2] =	stream.indirect_vreg.gather [hbm4b:s5+s29], $0x80, v3, vm0, $0xb8;
	[tilespmem:$0x18400] =	vst v63  }
0x7c: {  	v3 =	vld [tilespmem:$0x40];
	_ =	sdelay $0x4  }
0x7d: {  	v62 =	vshrl.u32 v3, $0x3  }
0x7e: {  	v4 =	vmul.u32 $0x30, v62  }
0x7f: {  	v3 =	vand.u32 $0x7, v3  }
0x80: {  	v3 =	vor.u32 v3, v4  }
0x81: {  	v4 =	vperm.xlane v3, v0;
	_ =	sdelay $0x1  }
0x82: {  	v4 =	vadd.s32 v1, v4;
	_ =	sdelay $0x3  }
0x83: {  	v3 =	vperm.xlane v3, v2  }
0x84: {  	[tilespmem:s12], [sflag:$0x3] =	stream.indirect_vreg.gather [hbm4b:s2+s29], $0x80, v4, vm0, $0xb8;
	[tilespmem:$0x18400] =	vst v63  }
0x85: {  	s21 =	simm.s32 $0xCC00;
	v3 =	vadd.s32 v1, v3  }
0x86: {  	[tilespmem:s21], [sflag:$0x3] =	stream.indirect_vreg.gather [hbm4b:s4+s29], $0x80, v4, vm0, $0xb8;
	[tilespmem:$0x18400] =	vst v63  }
0x87: {  	s23 =	simm.s32 $0xD400  }
0x88: {  	[tilespmem:s23], [sflag:$0x3] =	stream.indirect_vreg.gather [hbm4b:s5+s29], $0x80, v4, vm0, $0xb8;
	[tilespmem:$0x18400] =	vst v63  }
0x89: {  	s24 =	simm.s32 $0xDC00  }
0x8a: {  	[tilespmem:s24], [sflag:$0x3] =	stream.indirect_vreg.gather [hbm4b:s2+s29], $0x80, v3, vm0, $0xb8;
	[tilespmem:$0x18400] =	vst v63  }
0x8b: {  	s21 =	simm.s32 $0xE400  }
0x8c: {  	[tilespmem:s21], [sflag:$0x3] =	stream.indirect_vreg.gather [hbm4b:s4+s29], $0x80, v3, vm0, $0xb8;
	[tilespmem:$0x18400] =	vst v63  }
0x8d: {  	s23 =	simm.s32 $0xEC00  }
0x8e: {  	[tilespmem:s23], [sflag:$0x3] =	stream.indirect_vreg.gather [hbm4b:s5+s29], $0x80, v3, vm0, $0xb8;
	[tilespmem:$0x18400] =	vst v63  }
0x8f: {  	v3 =	vld [tilespmem:$0x50];
	_ =	sdelay $0x4  }
0x90: {  	v63 =	vshrl.u32 v3, $0x3  }
0x91: {  	v4 =	vmul.u32 $0x30, v63  }
0x92: {  	v3 =	vand.u32 $0x7, v3  }
0x93: {  	v3 =	vor.u32 v3, v4  }
0x94: {  	v4 =	vperm.xlane v3, v0;
	_ =	sdelay $0x1  }
0x95: {  	v4 =	vadd.s32 v1, v4;
	_ =	sdelay $0x3  }
0x96: {  	v3 =	vperm.xlane v3, v2  }
0x97: {  	[tilespmem:s19], [sflag:$0x3] =	stream.indirect_vreg.gather [hbm4b:s2+s29], $0x80, v4, vm0, $0xb8;
	[tilespmem:$0x18400] =	vst v63  }
0x98: {  	s24 =	simm.s32 $0xFC00;
	v3 =	vadd.s32 v1, v3  }
0x99: {  	[tilespmem:s24], [sflag:$0x3] =	stream.indirect_vreg.gather [hbm4b:s4+s29], $0x80, v4, vm0, $0xb8;
	[tilespmem:$0x18400] =	vst v63  }
0x9a: {  	s21 =	simm.s32 $0x10400  }
0x9b: {  	[tilespmem:s21], [sflag:$0x3] =	stream.indirect_vreg.gather [hbm4b:s5+s29], $0x80, v4, vm0, $0xb8;
	[tilespmem:$0x18400] =	vst v63  }
0x9c: {  	s23 =	simm.s32 $0x10C00  }
0x9d: {  	[tilespmem:s23], [sflag:$0x3] =	stream.indirect_vreg.gather [hbm4b:s2+s29], $0x80, v3, vm0, $0xb8;
	[tilespmem:$0x18400] =	vst v63  }
0x9e: {  	s24 =	simm.s32 $0x11400  }
0x9f: {  	[tilespmem:s24], [sflag:$0x3] =	stream.indirect_vreg.gather [hbm4b:s4+s29], $0x80, v3, vm0, $0xb8;
	[tilespmem:$0x18400] =	vst v63  }
0xa0: {  	s20 =	simm.s32 $0x70  }
0xa1: {  	[tilespmem:s25], [sflag:$0x3] =	stream.indirect_vreg.gather [hbm4b:s5+s29], $0x80, v3, vm0, $0xb8;
	[tilespmem:$0x18400] =	vst v63  }
.LBB2_4:
0xa2: {  	_ =	swait.ge [sflag:s26], $0x6000  }
0xa3: {  	[sflag:s26] =	ssyncset.done $0x0  }
0xa4: {  	s21 =	sadd.s32 s29, s8;
	s23 =	simm.s32 $0x400;
	[sflag:s26] =	ssyncadd.s32 $0xFFFFA000  }
0xa5: {  	[hbm4b:s21+s3] =	stream.linear.scatter [tilespmem:s23], [sflag:$0x5], $0x3000, $0x38;
	[tilespmem:$0x18400] =	vst v63  }
0xa6: {  	s24 =	simm.s32 $0x3400;
	p0 =	seq.s32 s29, $0x0;
	s23 =	sadd.s32 $0xC000, s21  }
0xa7: {  	[hbm4b:s23+s3] =	stream.linear.scatter [tilespmem:s24], [sflag:$0x5], $0x3000, $0x38;
	[tilespmem:$0x18400] =	vst v63  }
0xa8: {  	s23 =	simm.s32 @!p0 $0x8  }
0xa9: {  	_ =	swait.ge @!p0 [sflag:s23], $0x6000  }
0xaa: {  	[sflag:s23] =	ssyncset.done @!p0 $0x0  }
0xab: {  	[sflag:s23] =	ssyncadd.s32 @!p0 $0xFFFFA000  }
0xac: {  	v3 =	vld [tilespmem:s20+$0xFFFFFFF0];
	_ =	sdelay $0x4  }
0xad: {  	v4 =	vshrl.u32 v3, $0x3  }
0xae: {  	v4 =	vmul.u32 $0x30, v4  }
0xaf: {  	v3 =	vand.u32 $0x7, v3  }
0xb0: {  	v3 =	vor.u32 v3, v4  }
0xb1: {  	v4 =	vperm.xlane v3, v0;
	_ =	sdelay $0x1  }
0xb2: {  	v4 =	vadd.s32 v1, v4;
	_ =	sdelay $0x3  }
0xb3: {  	v3 =	vperm.xlane v3, v2  }
0xb4: {  	[tilespmem:s28], [sflag:$0x4] =	stream.indirect_vreg.gather [hbm4b:s2+s3], $0x80, v4, vm0, $0xb8;
	[tilespmem:$0x18400] =	vst v63  }
0xb5: {  	v3 =	vadd.s32 v1, v3  }
0xb6: {  	[tilespmem:s30], [sflag:$0x4] =	stream.indirect_vreg.gather [hbm4b:s4+s3], $0x80, v4, vm0, $0xb8;
	[tilespmem:$0x18400] =	vst v63  }
0xb7: {  	_ = 	snop  }
0xb8: {  	[tilespmem:s31], [sflag:$0x4] =	stream.indirect_vreg.gather [hbm4b:s5+s3], $0x80, v4, vm0, $0xb8;
	[tilespmem:$0x18400] =	vst v63  }
0xb9: {  	_ = 	snop  }
0xba: {  	[tilespmem:s0], [sflag:$0x4] =	stream.indirect_vreg.gather [hbm4b:s2+s3], $0x80, v3, vm0, $0xb8;
	[tilespmem:$0x18400] =	vst v63  }
0xbb: {  	_ = 	snop  }
0xbc: {  	[tilespmem:s1], [sflag:$0x4] =	stream.indirect_vreg.gather [hbm4b:s4+s3], $0x80, v3, vm0, $0xb8;
	[tilespmem:$0x18400] =	vst v63  }
0xbd: {  	_ = 	snop  }
0xbe: {  	[tilespmem:s11], [sflag:$0x4] =	stream.indirect_vreg.gather [hbm4b:s5+s3], $0x80, v3, vm0, $0xb8;
	[tilespmem:$0x18400] =	vst v63  }
0xbf: {  	v3 =	vld [tilespmem:s20+$0x0];
	_ =	sdelay $0x4  }
0xc0: {  	v63 =	vshrl.u32 v3, $0x3  }
0xc1: {  	v4 =	vmul.u32 $0x30, v63  }
0xc2: {  	v3 =	vand.u32 $0x7, v3  }
0xc3: {  	v3 =	vor.u32 v3, v4  }
0xc4: {  	v4 =	vperm.xlane v3, v0;
	_ =	sdelay $0x1  }
0xc5: {  	v4 =	vadd.s32 v1, v4;
	_ =	sdelay $0x3  }
0xc6: {  	v3 =	vperm.xlane v3, v2  }
0xc7: {  	[tilespmem:s6], [sflag:$0x4] =	stream.indirect_vreg.gather [hbm4b:s2+s3], $0x80, v4, vm0, $0xb8;
	[tilespmem:$0x18400] =	vst v63  }
0xc8: {  	v3 =	vadd.s32 v1, v3  }
0xc9: {  	[tilespmem:s9], [sflag:$0x4] =	stream.indirect_vreg.gather [hbm4b:s4+s3], $0x80, v4, vm0, $0xb8;
	[tilespmem:$0x18400] =	vst v63  }
0xca: {  	_ = 	snop  }
0xcb: {  	[tilespmem:s10], [sflag:$0x4] =	stream.indirect_vreg.gather [hbm4b:s5+s3], $0x80, v4, vm0, $0xb8;
	[tilespmem:$0x18400] =	vst v63  }
0xcc: {  	_ = 	snop  }
0xcd: {  	[tilespmem:s16], [sflag:$0x4] =	stream.indirect_vreg.gather [hbm4b:s2+s3], $0x80, v3, vm0, $0xb8;
	[tilespmem:$0x18400] =	vst v63  }
0xce: {  	_ = 	snop  }
0xcf: {  	[tilespmem:s22], [sflag:$0x4] =	stream.indirect_vreg.gather [hbm4b:s4+s3], $0x80, v3, vm0, $0xb8;
	[tilespmem:$0x18400] =	vst v63  }
0xd0: {  	_ = 	snop  }
0xd1: {  	[tilespmem:s13], [sflag:$0x4] =	stream.indirect_vreg.gather [hbm4b:s5+s3], $0x80, v3, vm0, $0xb8;
	[tilespmem:$0x18400] =	vst v63  }
0xd2: {  	_ =	swait.ge [sflag:s14], $0x6000  }
0xd3: {  	[sflag:s14] =	ssyncset.done $0x0  }
0xd4: {  	s24 =	simm.s32 $0x6400;
	s23 =	sadd.s32 $0x18000, s21;
	[sflag:s14] =	ssyncadd.s32 $0xFFFFA000  }
0xd5: {  	[hbm4b:s23+s3] =	stream.linear.scatter [tilespmem:s24], [sflag:$0x6], $0x3000, $0x38;
	[tilespmem:$0x18400] =	vst v63  }
0xd6: {  	p0 =	seq.s32 s29, $0x2A0000;
	s23 =	sadd.s32 $0x24000, s21;
	s24 =	simm.s32 $0x9400  }
0xd7: {  	[hbm4b:s23+s3] =	stream.linear.scatter [tilespmem:s24], [sflag:$0x6], $0x3000, $0x38;
	[tilespmem:$0x18400] =	vst v63  }
0xd8: {  	s23 =	simm.s32 @!p0 $0x5  }
0xd9: {  	_ =	swait.ge @!p0 [sflag:s23], $0x6000  }
0xda: {  	[sflag:s23] =	ssyncset.done @!p0 $0x0  }
0xdb: {  	[sflag:s23] =	ssyncadd.s32 @!p0 $0xFFFFA000  }
0xdc: {  	v3 =	vld @!p0 [tilespmem:s20+$0x10];
	_ =	sdelay $0x4  }
0xdd: {  	v4 =	vshrl.u32 @!p0 v3, $0x3  }
0xde: {  	v4 =	vmul.u32 @!p0 $0x30, v4  }
0xdf: {  	v5 =	vlaneseq.u32 @!p0;
	v3 =	vand.u32 @!p0 $0x7, v3  }
0xe0: {  	v6 =	vshrl.u32 @!p0 v5, $0x3;
	v3 =	vor.u32 @!p0 v3, v4;
	v4 =	vand.u32 @!p0 $0x7, v5  }
0xe1: {  	v6 =	vmul.u32 @!p0 $0x8, v6;
	v7 =	vperm.xlane @!p0 v3, v4;
	_ =	sdelay $0x1  }
0xe2: {  	v7 =	vadd.s32 @!p0 v6, v7;
	_ =	sdelay $0x2  }
0xe3: {  	v5 =	vor.u32 @!p0 $0x8, v5  }
0xe4: {  	vm1 =	vmmov @!p0 $0xffff;
	s24 =	simm.s32 @!p0 $0x400;
	s23 =	simm.s32 @!p0 $0x0;
	v3 =	vperm.xlane @!p0 v3, v5  }
0xe5: {  	[tilespmem:s24], [sflag:$0x1] =	stream.indirect_vreg.gather @!p0 [hbm4b:s2+s23], $0x80, v7, vm1, $0xb8;
	[tilespmem:$0x18400] =	vst v63  }
0xe6: {  	v3 =	vadd.s32 @!p0 v6, v3;
	s24 =	simm.s32 @!p0 $0xC00  }
0xe7: {  	[tilespmem:s24], [sflag:$0x1] =	stream.indirect_vreg.gather @!p0 [hbm4b:s4+s23], $0x80, v7, vm1, $0xb8;
	[tilespmem:$0x18400] =	vst v63  }
0xe8: {  	s24 =	simm.s32 @!p0 $0x1400  }
0xe9: {  	[tilespmem:s24], [sflag:$0x1] =	stream.indirect_vreg.gather @!p0 [hbm4b:s5+s23], $0x80, v7, vm1, $0xb8;
	[tilespmem:$0x18400] =	vst v63  }
0xea: {  	s24 =	simm.s32 @!p0 $0x1C00  }
0xeb: {  	[tilespmem:s24], [sflag:$0x1] =	stream.indirect_vreg.gather @!p0 [hbm4b:s2+s23], $0x80, v3, vm1, $0xb8;
	[tilespmem:$0x18400] =	vst v63  }
0xec: {  	s24 =	simm.s32 @!p0 $0x2400  }
0xed: {  	[tilespmem:s24], [sflag:$0x1] =	stream.indirect_vreg.gather @!p0 [hbm4b:s4+s23], $0x80, v3, vm1, $0xb8;
	[tilespmem:$0x18400] =	vst v63  }
0xee: {  	s24 =	simm.s32 @!p0 $0x2C00  }
0xef: {  	[tilespmem:s24], [sflag:$0x1] =	stream.indirect_vreg.gather @!p0 [hbm4b:s5+s23], $0x80, v3, vm1, $0xb8;
	[tilespmem:$0x18400] =	vst v63  }
0xf0: {  	v3 =	vld @!p0 [tilespmem:s20+$0x20];
	_ =	sdelay $0x4  }
0xf1: {  	v7 =	vshrl.u32 @!p0 v3, $0x3  }
0xf2: {  	v7 =	vmul.u32 @!p0 $0x30, v7  }
0xf3: {  	v3 =	vand.u32 @!p0 $0x7, v3  }
0xf4: {  	v3 =	vor.u32 @!p0 v3, v7  }
0xf5: {  	v7 =	vperm.xlane @!p0 v3, v4;
	_ =	sdelay $0x1  }
0xf6: {  	v7 =	vadd.s32 @!p0 v6, v7;
	_ =	sdelay $0x3  }
0xf7: {  	s24 =	simm.s32 @!p0 $0x3400;
	v3 =	vperm.xlane @!p0 v3, v5  }
0xf8: {  	[tilespmem:s24], [sflag:$0x1] =	stream.indirect_vreg.gather @!p0 [hbm4b:s2+s23], $0x80, v7, vm1, $0xb8;
	[tilespmem:$0x18400] =	vst v63  }
0xf9: {  	v3 =	vadd.s32 @!p0 v6, v3;
	s24 =	simm.s32 @!p0 $0x3C00  }
0xfa: {  	[tilespmem:s24], [sflag:$0x1] =	stream.indirect_vreg.gather @!p0 [hbm4b:s4+s23], $0x80, v7, vm1, $0xb8;
	[tilespmem:$0x18400] =	vst v63  }
0xfb: {  	s24 =	simm.s32 @!p0 $0x4400  }
0xfc: {  	[tilespmem:s24], [sflag:$0x1] =	stream.indirect_vreg.gather @!p0 [hbm4b:s5+s23], $0x80, v7, vm1, $0xb8;
	[tilespmem:$0x18400] =	vst v63  }
0xfd: {  	s24 =	simm.s32 @!p0 $0x4C00  }
0xfe: {  	[tilespmem:s24], [sflag:$0x1] =	stream.indirect_vreg.gather @!p0 [hbm4b:s2+s23], $0x80, v3, vm1, $0xb8;
	[tilespmem:$0x18400] =	vst v63  }
0xff: {  	s24 =	simm.s32 @!p0 $0x5400  }
0x100: {  	[tilespmem:s24], [sflag:$0x1] =	stream.indirect_vreg.gather @!p0 [hbm4b:s4+s23], $0x80, v3, vm1, $0xb8;
	[tilespmem:$0x18400] =	vst v63  }
0x101: {  	s24 =	simm.s32 @!p0 $0x5C00  }
0x102: {  	[tilespmem:s24], [sflag:$0x1] =	stream.indirect_vreg.gather @!p0 [hbm4b:s5+s23], $0x80, v3, vm1, $0xb8;
	[tilespmem:$0x18400] =	vst v63  }
0x103: {  	_ =	swait.ge [sflag:s15], $0x6000  }
0x104: {  	[sflag:s15] =	ssyncset.done $0x0  }
0x105: {  	s24 =	sadd.s32 $0x30000, s21;
	[sflag:s15] =	ssyncadd.s32 $0xFFFFA000  }
0x106: {  	[hbm4b:s24+s3] =	stream.linear.scatter [tilespmem:s12], [sflag:$0x7], $0x3000, $0x38;
	[tilespmem:$0x18400] =	vst v63  }
0x107: {  	s24 =	sadd.s32 $0x3C000, s21  }
0x108: {  	[hbm4b:s24+s3] =	stream.linear.scatter [tilespmem:s19], [sflag:$0x7], $0x3000, $0x38;
	[tilespmem:$0x18400] =	vst v63  }
0x109: {  	s24 =	simm.s32 @!p0 $0x6  }
0x10a: {  	_ =	swait.ge @!p0 [sflag:s24], $0x6000  }
0x10b: {  	[sflag:s24] =	ssyncset.done @!p0 $0x0  }
0x10c: {  	[sflag:s24] =	ssyncadd.s32 @!p0 $0xFFFFA000  }
0x10d: {  	v3 =	vld @!p0 [tilespmem:s20+$0x30];
	_ =	sdelay $0x4  }
0x10e: {  	v7 =	vshrl.u32 @!p0 v3, $0x3  }
0x10f: {  	v7 =	vmul.u32 @!p0 $0x30, v7  }
0x110: {  	v3 =	vand.u32 @!p0 $0x7, v3  }
0x111: {  	v3 =	vor.u32 @!p0 v3, v7  }
0x112: {  	v7 =	vperm.xlane @!p0 v3, v4;
	_ =	sdelay $0x1  }
0x113: {  	v7 =	vadd.s32 @!p0 v6, v7;
	_ =	sdelay $0x3  }
0x114: {  	s24 =	simm.s32 @!p0 $0x6400;
	v3 =	vperm.xlane @!p0 v3, v5  }
0x115: {  	[tilespmem:s24], [sflag:$0x2] =	stream.indirect_vreg.gather @!p0 [hbm4b:s2+s23], $0x80, v7, vm1, $0xb8;
	[tilespmem:$0x18400] =	vst v63  }
0x116: {  	v3 =	vadd.s32 @!p0 v6, v3;
	s24 =	simm.s32 @!p0 $0x6C00  }
0x117: {  	[tilespmem:s24], [sflag:$0x2] =	stream.indirect_vreg.gather @!p0 [hbm4b:s4+s23], $0x80, v7, vm1, $0xb8;
	[tilespmem:$0x18400] =	vst v63  }
0x118: {  	s24 =	simm.s32 @!p0 $0x7400  }
0x119: {  	[tilespmem:s24], [sflag:$0x2] =	stream.indirect_vreg.gather @!p0 [hbm4b:s5+s23], $0x80, v7, vm1, $0xb8;
	[tilespmem:$0x18400] =	vst v63  }
0x11a: {  	s24 =	simm.s32 @!p0 $0x7C00  }
0x11b: {  	[tilespmem:s24], [sflag:$0x2] =	stream.indirect_vreg.gather @!p0 [hbm4b:s2+s23], $0x80, v3, vm1, $0xb8;
	[tilespmem:$0x18400] =	vst v63  }
0x11c: {  	s24 =	simm.s32 @!p0 $0x8400  }
0x11d: {  	[tilespmem:s24], [sflag:$0x2] =	stream.indirect_vreg.gather @!p0 [hbm4b:s4+s23], $0x80, v3, vm1, $0xb8;
	[tilespmem:$0x18400] =	vst v63  }
0x11e: {  	s24 =	simm.s32 @!p0 $0x8C00  }
0x11f: {  	[tilespmem:s24], [sflag:$0x2] =	stream.indirect_vreg.gather @!p0 [hbm4b:s5+s23], $0x80, v3, vm1, $0xb8;
	[tilespmem:$0x18400] =	vst v63  }
0x120: {  	v3 =	vld @!p0 [tilespmem:s20+$0x40];
	_ =	sdelay $0x4  }
0x121: {  	v7 =	vshrl.u32 @!p0 v3, $0x3  }
0x122: {  	v7 =	vmul.u32 @!p0 $0x30, v7  }
0x123: {  	v3 =	vand.u32 @!p0 $0x7, v3  }
0x124: {  	v3 =	vor.u32 @!p0 v3, v7  }
0x125: {  	v4 =	vperm.xlane @!p0 v3, v4;
	_ =	sdelay $0x1  }
0x126: {  	v4 =	vadd.s32 @!p0 v6, v4;
	_ =	sdelay $0x3  }
0x127: {  	s24 =	simm.s32 @!p0 $0x9400;
	v3 =	vperm.xlane @!p0 v3, v5  }
0x128: {  	[tilespmem:s24], [sflag:$0x2] =	stream.indirect_vreg.gather @!p0 [hbm4b:s2+s23], $0x80, v4, vm1, $0xb8;
	[tilespmem:$0x18400] =	vst v63  }
0x129: {  	v3 =	vadd.s32 @!p0 v6, v3;
	s24 =	simm.s32 @!p0 $0x9C00  }
0x12a: {  	[tilespmem:s24], [sflag:$0x2] =	stream.indirect_vreg.gather @!p0 [hbm4b:s4+s23], $0x80, v4, vm1, $0xb8;
	[tilespmem:$0x18400] =	vst v63  }
0x12b: {  	s24 =	simm.s32 @!p0 $0xA400  }
0x12c: {  	[tilespmem:s24], [sflag:$0x2] =	stream.indirect_vreg.gather @!p0 [hbm4b:s5+s23], $0x80, v4, vm1, $0xb8;
	[tilespmem:$0x18400] =	vst v63  }
0x12d: {  	s24 =	simm.s32 @!p0 $0xAC00  }
0x12e: {  	[tilespmem:s24], [sflag:$0x2] =	stream.indirect_vreg.gather @!p0 [hbm4b:s2+s23], $0x80, v3, vm1, $0xb8;
	[tilespmem:$0x18400] =	vst v63  }
0x12f: {  	s24 =	simm.s32 @!p0 $0xB400  }
0x130: {  	[tilespmem:s24], [sflag:$0x2] =	stream.indirect_vreg.gather @!p0 [hbm4b:s4+s23], $0x80, v3, vm1, $0xb8;
	[tilespmem:$0x18400] =	vst v63  }
0x131: {  	s24 =	simm.s32 @!p0 $0xBC00  }
0x132: {  	[tilespmem:s24], [sflag:$0x2] =	stream.indirect_vreg.gather @!p0 [hbm4b:s5+s23], $0x80, v3, vm1, $0xb8;
	[tilespmem:$0x18400] =	vst v63  }
0x133: {  	_ =	swait.ge [sflag:s17], $0x6000  }
.Ltmp3:
0x134: {  	[sflag:s17] =	ssyncset.done $0x0;
	(pc) =	sbr.rel @p0 .LBB2_6-.Ltmp3, $4  }
0x135: {  	s24 =	sadd.s32 $0x48000, s21;
	[sflag:s17] =	ssyncadd.s32 $0xFFFFA000  }
0x136: {  	[hbm4b:s24+s3] =	stream.linear.scatter [tilespmem:s28], [sflag:$0x8], $0x3000, $0x38;
	[tilespmem:$0x18400] =	vst v63  }
0x137: {  	s21 =	sadd.s32 $0x54000, s21  }
0x138: {  	[hbm4b:s21+s3] =	stream.linear.scatter [tilespmem:s6], [sflag:$0x8], $0x3000, $0x38;
	[tilespmem:$0x18400] =	vst v63  }
0x139: {  	_ =	swait.ge [sflag:s18], $0x6000  }
0x13a: {  	[sflag:s18] =	ssyncset.done $0x0  }
0x13b: {  	[sflag:s18] =	ssyncadd.s32 $0xFFFFA000  }
0x13c: {  	v3 =	vld [tilespmem:s20+$0x50];
	_ =	sdelay $0x4  }
0x13d: {  	v4 =	vshrl.u32 v3, $0x3  }
0x13e: {  	v4 =	vmul.u32 $0x30, v4  }
0x13f: {  	v3 =	vand.u32 $0x7, v3  }
0x140: {  	v3 =	vor.u32 v3, v4  }
0x141: {  	v4 =	vperm.xlane v3, v0;
	_ =	sdelay $0x1  }
0x142: {  	v4 =	vadd.s32 v1, v4;
	_ =	sdelay $0x3  }
0x143: {  	v3 =	vperm.xlane v3, v2  }
0x144: {  	[tilespmem:s12], [sflag:$0x3] =	stream.indirect_vreg.gather [hbm4b:s2+s3], $0x80, v4, vm0, $0xb8;
	[tilespmem:$0x18400] =	vst v63  }
0x145: {  	s21 =	simm.s32 $0xCC00;
	v3 =	vadd.s32 v1, v3  }
0x146: {  	[tilespmem:s21], [sflag:$0x3] =	stream.indirect_vreg.gather [hbm4b:s4+s3], $0x80, v4, vm0, $0xb8;
	[tilespmem:$0x18400] =	vst v63  }
0x147: {  	s23 =	simm.s32 $0xD400  }
0x148: {  	[tilespmem:s23], [sflag:$0x3] =	stream.indirect_vreg.gather [hbm4b:s5+s3], $0x80, v4, vm0, $0xb8;
	[tilespmem:$0x18400] =	vst v63  }
0x149: {  	s24 =	simm.s32 $0xDC00  }
0x14a: {  	[tilespmem:s24], [sflag:$0x3] =	stream.indirect_vreg.gather [hbm4b:s2+s3], $0x80, v3, vm0, $0xb8;
	[tilespmem:$0x18400] =	vst v63  }
0x14b: {  	s23 =	simm.s32 $0xE400  }
0x14c: {  	[tilespmem:s23], [sflag:$0x3] =	stream.indirect_vreg.gather [hbm4b:s4+s3], $0x80, v3, vm0, $0xb8;
	[tilespmem:$0x18400] =	vst v63  }
0x14d: {  	s24 =	simm.s32 $0xEC00  }
0x14e: {  	[tilespmem:s24], [sflag:$0x3] =	stream.indirect_vreg.gather [hbm4b:s5+s3], $0x80, v3, vm0, $0xb8;
	[tilespmem:$0x18400] =	vst v63  }
0x14f: {  	v3 =	vld [tilespmem:s20+$0x60];
	_ =	sdelay $0x4  }
0x150: {  	v63 =	vshrl.u32 v3, $0x3  }
0x151: {  	v4 =	vmul.u32 $0x30, v63  }
0x152: {  	v3 =	vand.u32 $0x7, v3  }
0x153: {  	v3 =	vor.u32 v3, v4  }
0x154: {  	v4 =	vperm.xlane v3, v0;
	_ =	sdelay $0x1  }
0x155: {  	v4 =	vadd.s32 v1, v4;
	_ =	sdelay $0x3  }
0x156: {  	v3 =	vperm.xlane v3, v2  }
0x157: {  	[tilespmem:s19], [sflag:$0x3] =	stream.indirect_vreg.gather [hbm4b:s2+s3], $0x80, v4, vm0, $0xb8;
	[tilespmem:$0x18400] =	vst v63  }
0x158: {  	s23 =	simm.s32 $0xFC00;
	v3 =	vadd.s32 v1, v3  }
0x159: {  	[tilespmem:s23], [sflag:$0x3] =	stream.indirect_vreg.gather [hbm4b:s4+s3], $0x80, v4, vm0, $0xb8;
	[tilespmem:$0x18400] =	vst v63  }
0x15a: {  	s24 =	simm.s32 $0x10400  }
0x15b: {  	[tilespmem:s24], [sflag:$0x3] =	stream.indirect_vreg.gather [hbm4b:s5+s3], $0x80, v4, vm0, $0xb8;
	[tilespmem:$0x18400] =	vst v63  }
0x15c: {  	s23 =	simm.s32 $0x10C00  }
0x15d: {  	[tilespmem:s23], [sflag:$0x3] =	stream.indirect_vreg.gather [hbm4b:s2+s3], $0x80, v3, vm0, $0xb8;
	[tilespmem:$0x18400] =	vst v63  }
.Ltmp4:
0x15e: {  	_ = 	snop;
	(pc) =	sbr.rel .LBB2_4-.Ltmp4, $4  }
0x15f: {  	s24 =	simm.s32 $0x11400  }
0x160: {  	[tilespmem:s24], [sflag:$0x3] =	stream.indirect_vreg.gather [hbm4b:s4+s3], $0x80, v3, vm0, $0xb8;
	[tilespmem:$0x18400] =	vst v63  }
0x161: {  	s29 =	sadd.s32 $0x60000, s29;
	s20 =	sadd.s32 $0x80, s20  }
0x162: {  	[tilespmem:s25], [sflag:$0x3] =	stream.indirect_vreg.gather [hbm4b:s5+s3], $0x80, v3, vm0, $0xb8;
	[tilespmem:$0x18400] =	vst v63  }
.LBB2_7:
0x163: {  	_ =	sfence.sel $0x180000  }
0x164: {  	[bflag:$0x0] =	sbarrier.arrive $0xFFFF  }
0x165: {  	_ =	strace $0x90000047  }
0x166: {  	s0 =	stileid.u32;
	[bflag:$0x2] =	sbarrier.arrive $0xFFFF  }
0x167: {  	p0 =	sne.s32 s0, $0x0;
	s0 =	rddreg [dreg:$0x3]  }
0x168: {  	s0 =	sadd.s32 @!p0 $0x100000, s0  }
0x169: {  	[sflag:s0] =	ssyncadd.tile.s32 @!p0 $0x1;
	_ =	shalt  }
.Lfunc_end2:
_tile_overlayer_lowered:
.L_overlay_start_2:
0x16a: {  	(tag) =	ssettag $0x2  }
0x16b: {  	s0 =	rddreg [dreg:$0x0];
	s2 =	stileid.u32  }
0x16c: {  	s1 =	rddreg [dreg:$0x1];
	p0 =	sne.s32 s2, $0x0  }
0x16d: {  	s3 =	rddreg [dreg:$0x2];
	[bflag:$0x3] =	sbarrier.arrive $0xFFFF;
	s2 =	simm.s32 @!p0 $0x1C0A  }
0x16e: {  	[timem:s3], [sflag:s2] =	dma.local @!p0 [hbm:s0], s1  }
0x16f: {  	s0 =	simm.s32 @!p0 $0xA  }
0x170: {  	_ =	swait.ge @!p0 [sflag:s0], s1  }
0x171: {  	s1 =	ssub.s32 @!p0 $0x0, s1;
	[sflag:s0] =	ssyncset.done @!p0 $0x0  }
0x172: {  	[sflag:s0] =	ssyncadd.s32 @!p0 s1  }
0x173: {  	[bflag:$0x3] =	sbarrier.arrive $0xFFFF  }
0x174: {  	_ =	shalt  }

</sc_bundles>
